<compile_context>
chip_gen: v7x
topology: tpu7x:2x2x1
jax: 0.10.2.dev20260603
libtpu: 0.0.44.dev20260713+nightly
codegen_flags: <defaults>
</compile_context>

<pallas_src>
import functools

import jax
import jax.numpy as jnp
from jax import lax
from jax.experimental import pallas as pl
from jax.experimental.pallas import tpu as pltpu
from jax.experimental.pallas import tpu_sc as plsc

_B = 32
_H = 1024
_HH = 512
_N = 100000
_K = 64
_BN = 4096
_NBLK = (_N + _BN - 1) // _BN

_NP = _NBLK * _BN
_CH = 256
_G = _NP // _CH
_GP = _G
_J = _GP // 16


def _scores_body(h_ref, w2_ref, b2_ref, comp_ref, ema_ref,
                 out_ref, exact_ref):
    s = jnp.dot(h_ref[...], w2_ref[...],
                preferred_element_type=jnp.float32) + b2_ref[...]
    s = s + comp_ref[...] * 0.3 + (1.0 / (ema_ref[...] + 1e-6)) * 0.1
    col = pl.program_id(0) * _BN + lax.broadcasted_iota(jnp.int32, (_B, _BN), 1)
    out_ref[...] = jnp.where(col < _N, s, -jnp.inf)
    exact_ref[...] = s


def _tc_scores(h, W2, b2, comp, ema):
    return pl.pallas_call(
        _scores_body,
        grid=(_NBLK,),
        in_specs=[
            pl.BlockSpec((_B, _HH), lambda j: (0, 0)),
            pl.BlockSpec((_HH, _BN), lambda j: (0, j)),
            pl.BlockSpec((1, _BN), lambda j: (0, j)),
            pl.BlockSpec((1, _BN), lambda j: (0, j)),
            pl.BlockSpec((1, _BN), lambda j: (0, j)),
        ],
        out_specs=[pl.BlockSpec((_B, _BN), lambda j: (0, j)),
                   pl.BlockSpec((_B, _BN), lambda j: (0, j))],
        out_shape=[jax.ShapeDtypeStruct((_B, _NP), jnp.float32),
                   jax.ShapeDtypeStruct((_B, _N), jnp.float32)],
    )(h, W2, b2, comp, ema)


_GDN = lax.GatherDimensionNumbers(offset_dims=(), collapsed_slice_dims=(0,),
                                  start_index_map=(0,))


def _shuf(x, idx):
    return lax.gather(x, idx[:, None], dimension_numbers=_GDN,
                      slice_sizes=(1,),
                      mode=lax.GatherScatterMode.PROMISE_IN_BOUNDS)


def _pair_max(m, mi, x, xi):
    upd = x > m
    return jnp.where(upd, x, m), jnp.where(upd, xi, mi)


def _cross_lane_argmax(lane, v, i):
    for s in (8, 4, 2, 1):
        p = lane ^ s
        zv = _shuf(v, p)
        zi = _shuf(i, p)
        take = jnp.logical_or(zv > v, jnp.logical_and(zv == v, zi < i))
        v = jnp.where(take, zv, v)
        i = jnp.where(take, zi, i)
    return v[0], i[0]


def _sc_body(scores_hbm, mask_hbm, sel_hbm, row_v, m1_v, m2v_v, m2i_v, idx_v):
    row = lax.axis_index("s") * 2 + lax.axis_index("c")
    neg = jnp.float32(-jnp.inf)
    neg_v = jnp.full((16,), neg, jnp.float32)
    lane = lax.broadcasted_iota(jnp.int32, (16,), 0)

    pltpu.sync_copy(scores_hbm.at[pl.ds(row * _NP, _NP)], row_v)

    def m1_body(g, c):
        base = g * _CH
        m = row_v[pl.ds(base, 16)]
        for k in range(1, 16):
            m = jnp.maximum(m, row_v[pl.ds(base + k * 16, 16)])
        m1_v[pl.ds(g * 16, 16)] = m
        return c

    lax.fori_loop(0, _G, m1_body, 0)
    for g in range(_G, _GP):
        m1_v[pl.ds(g * 16, 16)] = neg_v

    def m2_body(j, c):
        m = m1_v[pl.ds(j * 256, 16)]
        mi = jnp.full((16,), 0, jnp.int32) + j * 16
        for k in range(1, 16):
            m, mi = _pair_max(m, mi, m1_v[pl.ds(j * 256 + k * 16, 16)],
                              jnp.full((16,), 0, jnp.int32) + (j * 16 + k))
        m2v_v[pl.ds(j * 16, 16)] = m
        m2i_v[pl.ds(j * 16, 16)] = mi
        return c

    lax.fori_loop(0, _J, m2_body, 0)

    def extract(t, c):
        m = m2v_v[pl.ds(0, 16)]
        mi = m2i_v[pl.ds(0, 16)]
        for j in range(1, _J):
            m, mi = _pair_max(m, mi, m2v_v[pl.ds(j * 16, 16)],
                              m2i_v[pl.ds(j * 16, 16)])
        v, gbest = _cross_lane_argmax(lane, m, mi)
        vs = jnp.full((16,), v, jnp.float32)

        kb0 = gbest * _CH
        em = row_v[pl.ds(kb0, 16)]
        ei = kb0 + lane
        for k in range(1, 16):
            em, ei = _pair_max(em, ei, row_v[pl.ds(kb0 + k * 16, 16)],
                               kb0 + k * 16 + lane)
        _, flat = _cross_lane_argmax(lane, em, ei)

        slot = (t >> 4) << 4
        iv = idx_v[pl.ds(slot, 16)]
        idx_v[pl.ds(slot, 16)] = jnp.where(lane == (t & 15), flat, iv)

        kb = (flat >> 4) << 4
        vreg = row_v[pl.ds(kb, 16)]
        row_v[pl.ds(kb, 16)] = jnp.where(lane == (flat & 15), neg, vreg)

        m = row_v[pl.ds(kb0, 16)]
        for k in range(1, 16):
            m = jnp.maximum(m, row_v[pl.ds(kb0 + k * 16, 16)])
        m1_v[pl.ds(gbest * 16, 16)] = m

        jb = gbest >> 4
        m = m1_v[pl.ds(jb * 256, 16)]
        mi = jnp.full((16,), 0, jnp.int32) + jb * 16
        for k in range(1, 16):
            m, mi = _pair_max(m, mi, m1_v[pl.ds(jb * 256 + k * 16, 16)],
                              jb * 16 + k + jnp.full((16,), 0, jnp.int32))
        m2v_v[pl.ds(jb * 16, 16)] = m
        m2i_v[pl.ds(jb * 16, 16)] = mi
        return c

    lax.fori_loop(0, _K, extract, 0)

    zero_v = jnp.zeros((16,), jnp.float32)

    def zero_body(i, c):
        base = i * _CH
        for k in range(16):
            row_v[pl.ds(base + k * 16, 16)] = zero_v
        return c

    lax.fori_loop(0, _NP // _CH, zero_body, 0)

    def ones_body(t, c):
        iv = idx_v[pl.ds((t >> 4) << 4, 16)]
        m = jnp.where(lane == (t & 15), iv, jnp.int32(-2147483648))
        for s in (8, 4, 2, 1):
            m = jnp.maximum(m, _shuf(m, lane ^ s))
        flat = m[0]
        kb = (flat >> 4) << 4
        vreg = row_v[pl.ds(kb, 16)]
        row_v[pl.ds(kb, 16)] = jnp.where(lane == (flat & 15),
                                         jnp.float32(1.0), vreg)
        return c

    lax.fori_loop(0, _K, ones_body, 0)
    pltpu.sync_copy(row_v, mask_hbm.at[pl.ds(row * _NP, _NP)])

    @pl.when(row == 0)
    def _():
        pltpu.sync_copy(idx_v, sel_hbm)


@functools.lru_cache(maxsize=1)
def _sc_topk():
    return pl.kernel(
        _sc_body,
        out_type=(jax.ShapeDtypeStruct((_B * _NP,), jnp.float32),
                  jax.ShapeDtypeStruct((_K,), jnp.int32)),
        mesh=plsc.VectorSubcoreMesh(core_axis_name="c", subcore_axis_name="s",
                                    num_cores=2, num_subcores=16),
        scratch_types=[
            pltpu.VMEM((_NP,), jnp.float32),
            pltpu.VMEM((_GP * 16,), jnp.float32),
            pltpu.VMEM((_J * 16,), jnp.float32),
            pltpu.VMEM((_J * 16,), jnp.int32),
            pltpu.VMEM((_K,), jnp.int32),
        ],
    )


def kernel(z, W1, b1, ln_g, ln_b, W2, b2, competence, activation_ema):
    h = z @ W1 + b1
    mu = jnp.mean(h, axis=-1, keepdims=True)
    var = jnp.mean((h - mu) ** 2, axis=-1, keepdims=True)
    h = (h - mu) / jnp.sqrt(var + 1e-5) * ln_g + ln_b
    h = jax.nn.gelu(h, approximate=False)
    padded, exact = _tc_scores(h, W2, b2.reshape(1, _N),
                               competence.reshape(1, _N),
                               activation_ema.reshape(1, _N))
    mask_flat, sel = _sc_topk()(padded.reshape(_B * _NP))
    mask = mask_flat.reshape(_B, _NP)[:, :_N]
    return mask, sel, exact

# --- scband reference (transcript-rebuilt; emitter-appended) ---
"""Pipeline reference for scband-adaptive-router-15874199126031 (READ-ONLY COPY).

The authoritative reference and input builder live on the scoring server;
editing this copy changes nothing except your own understanding.
"""

import jax, jax.numpy as jnp
import numpy as np

H = 1024
N_NEURONS = 100000
B = 32
TOP_K = 64
TEMPERATURE = 1.0
DIVERSITY_WEIGHT = 0.1


def setup_inputs(seed: int = 0) -> dict:
    key = jax.random.key(seed)
    ks = jax.random.split(key, 8)
    z = jax.random.normal(ks[0], (B, H), dtype=jnp.float32)
    # scorer = Linear(H, H//2) -> LayerNorm(H//2) -> GELU -> Linear(H//2, N)
    W1 = jax.random.normal(ks[1], (H, H // 2), dtype=jnp.float32) * (1.0 / np.sqrt(H))
    b1 = jnp.zeros((H // 2,), dtype=jnp.float32)
    ln_g = jnp.ones((H // 2,), dtype=jnp.float32)
    ln_b = jnp.zeros((H // 2,), dtype=jnp.float32)
    W2 = jax.random.normal(ks[2], (H // 2, N_NEURONS), dtype=jnp.float32) * (1.0 / np.sqrt(H // 2))
    b2 = jnp.zeros((N_NEURONS,), dtype=jnp.float32)
    competence = jnp.ones((N_NEURONS,), dtype=jnp.float32)
    # activation_ema buffer: positive values as after some training steps
    activation_ema = jax.random.uniform(ks[3], (N_NEURONS,), dtype=jnp.float32, minval=0.01, maxval=1.0)
    return {
        "z": z,
        "W1": W1,
        "b1": b1,
        "ln_g": ln_g,
        "ln_b": ln_b,
        "W2": W2,
        "b2": b2,
        "competence": competence,
        "activation_ema": activation_ema,
    }


def reference(z, W1, b1, ln_g, ln_b, W2, b2, competence, activation_ema):
    # scorer(z)
    h = z @ W1 + b1
    mu = jnp.mean(h, axis=-1, keepdims=True)
    var = jnp.mean((h - mu) ** 2, axis=-1, keepdims=True)
    h = (h - mu) / jnp.sqrt(var + 1e-5) * ln_g + ln_b
    h = jax.nn.gelu(h, approximate=False)
    context_scores = h @ W2 + b2  # [B, N]
    comp_scores = jnp.broadcast_to(competence[None, :], (B, N_NEURONS))
    novelty_scores = 1.0 / (activation_ema + 1e-6)
    novelty_scores = jnp.broadcast_to(novelty_scores[None, :], (B, N_NEURONS))
    final_scores = context_scores + comp_scores * 0.3 + novelty_scores * DIVERSITY_WEIGHT
    final_scores = final_scores / TEMPERATURE
    k_actual = min(TOP_K, N_NEURONS)
    _, top_indices = jax.lax.top_k(final_scores, k_actual)  # [B, k]
    mask = jnp.zeros((B, N_NEURONS), dtype=jnp.float32)
    mask = mask.at[jnp.arange(B)[:, None], top_indices].set(1.0)
    selected_indices = top_indices[0]
    return mask, selected_indices, final_scores

if __name__ == "__main__":
    import jax
    _d = setup_inputs()
    print(jax.jit(kernel)(*tuple(_d.values())))

</pallas_src>

<mosaic_0001>
#map = affine_map<(d0, d1) -> (0)>
module attributes {stable_mosaic.version = 14 : i64} {
  func.func @_sc_body(%arg0: i32, %arg1: i32, %arg2: memref<3276800xf32, #tpu.memory_space<hbm>>, %arg3: memref<3276800xf32, #tpu.memory_space<hbm>>, %arg4: memref<64xi32, #tpu.memory_space<hbm>>, %arg5: memref<102400xf32, #tpu.memory_space<vmem>>, %arg6: memref<6400xf32, #tpu.memory_space<vmem>>, %arg7: memref<400xf32, #tpu.memory_space<vmem>>, %arg8: memref<400xi32, #tpu.memory_space<vmem>>, %arg9: memref<64xi32, #tpu.memory_space<vmem>>) attributes {dimension_semantics = [#tpu.dimension_semantics<core_parallel>, #tpu.dimension_semantics<subcore_parallel>], iteration_bounds = array<i64: 2, 16>, scalar_prefetch = 0 : i64, scratch_operands = 5 : i64, tpu.core_type = #tpu.core_type<sc_vector_subcore>, window_params = [{transform_indices = #map}, {transform_indices = #map}, {transform_indices = #map}]} {
    %mul3A = arith.constant 2 : i32
    %mul3A_0 = arith.muli %arg1, %mul3A : i32
    %add3A = arith.addi %mul3A_0, %arg0 : i32
    %broadcast_in_dim3A = arith.constant 0xFF800000 : f32
    %broadcast_in_dim3A_1 = vector.broadcast %broadcast_in_dim3A : f32 to vector<16xf32>
    %iota3A = tpu.iota {dimensions = array<i32: 0>} : vector<16xi32>
    %mul3A_2 = arith.constant 102400 : i32
    %mul3A_3 = arith.muli %add3A, %mul3A_2 : i32
    "tpu.region"() ({
      %run_scoped3A = tpu.sem_alloc : memref<!tpu.dma_semaphore, #tpu.memory_space<semaphore_mem>>
      %dma_start3A = tpu.memref_slice %arg2[%mul3A_3] : memref<3276800xf32, #tpu.memory_space<hbm>> -> memref<102400xf32, #tpu.memory_space<hbm>>
      %dma_start3A_40 = tpu.memref_slice %arg2[%mul3A_3] : memref<3276800xf32, #tpu.memory_space<hbm>> -> memref<102400xf32, #tpu.memory_space<hbm>>
      tpu.enqueue_dma source(%dma_start3A_40 : memref<102400xf32, #tpu.memory_space<hbm>>) target(%arg5 : memref<102400xf32, #tpu.memory_space<vmem>>) target_semaphore(%run_scoped3A : memref<!tpu.dma_semaphore, #tpu.memory_space<semaphore_mem>>)
      %dma_wait3A = tpu.memref_slice %arg2[%mul3A_3] : memref<3276800xf32, #tpu.memory_space<hbm>> -> memref<102400xf32, #tpu.memory_space<hbm>>
      %dma_wait3A_41 = tpu.memref_slice %arg2[%mul3A_3] : memref<3276800xf32, #tpu.memory_space<hbm>> -> memref<102400xf32, #tpu.memory_space<hbm>>
      tpu.wait_dma2 semaphore(%run_scoped3A : memref<!tpu.dma_semaphore, #tpu.memory_space<semaphore_mem>>) src(%dma_wait3A_41 : memref<102400xf32, #tpu.memory_space<hbm>>) dst(%arg5 : memref<102400xf32, #tpu.memory_space<vmem>>)
      tpu.yield
    }) : () -> ()
    %scan3A = arith.constant 0 : i32
    %scan3A_4 = arith.constant 0 : i32
    %scan3A_5 = arith.constant 400 : i32
    %scan3A_6 = arith.addi %scan3A_4, %scan3A_5 : i32
    %scan3A_7 = arith.constant 1 : i32
    scf.for %scan3A_40 = %scan3A_4 to %scan3A_6 step %scan3A_7  : i32 {
      %mul3A_41 = arith.constant 256 : i32
      %mul3A_42 = arith.muli %scan3A_40, %mul3A_41 : i32
      %get3A = arith.index_cast %mul3A_42 : i32 to index
      %get3A_43 = tpu.vector_load %arg5[%get3A] {strides = array<i32>} : memref<102400xf32, #tpu.memory_space<vmem>>, vector<16xf32>,
      %get3A_44 = vector.shape_cast %get3A_43 : vector<16xf32> to vector<16xf32>
      %add3A_45 = arith.constant 16 : i32
      %add3A_46 = arith.addi %mul3A_42, %add3A_45 : i32
      %get3A_47 = arith.index_cast %add3A_46 : i32 to index
      %get3A_48 = tpu.vector_load %arg5[%get3A_47] {strides = array<i32>} : memref<102400xf32, #tpu.memory_space<vmem>>, vector<16xf32>,
      %get3A_49 = vector.shape_cast %get3A_48 : vector<16xf32> to vector<16xf32>
      %max3A = arith.maximumf %get3A_44, %get3A_49 : vector<16xf32>
      %add3A_50 = arith.constant 32 : i32
      %add3A_51 = arith.addi %mul3A_42, %add3A_50 : i32
      %get3A_52 = arith.index_cast %add3A_51 : i32 to index
      %get3A_53 = tpu.vector_load %arg5[%get3A_52] {strides = array<i32>} : memref<102400xf32, #tpu.memory_space<vmem>>, vector<16xf32>,
      %get3A_54 = vector.shape_cast %get3A_53 : vector<16xf32> to vector<16xf32>
      %max3A_55 = arith.maximumf %max3A, %get3A_54 : vector<16xf32>
      %add3A_56 = arith.constant 48 : i32
      %add3A_57 = arith.addi %mul3A_42, %add3A_56 : i32
      %get3A_58 = arith.index_cast %add3A_57 : i32 to index
      %get3A_59 = tpu.vector_load %arg5[%get3A_58] {strides = array<i32>} : memref<102400xf32, #tpu.memory_space<vmem>>, vector<16xf32>,
      %get3A_60 = vector.shape_cast %get3A_59 : vector<16xf32> to vector<16xf32>
      %max3A_61 = arith.maximumf %max3A_55, %get3A_60 : vector<16xf32>
      %add3A_62 = arith.constant 64 : i32
      %add3A_63 = arith.addi %mul3A_42, %add3A_62 : i32
      %get3A_64 = arith.index_cast %add3A_63 : i32 to index
      %get3A_65 = tpu.vector_load %arg5[%get3A_64] {strides = array<i32>} : memref<102400xf32, #tpu.memory_space<vmem>>, vector<16xf32>,
      %get3A_66 = vector.shape_cast %get3A_65 : vector<16xf32> to vector<16xf32>
      %max3A_67 = arith.maximumf %max3A_61, %get3A_66 : vector<16xf32>
      %add3A_68 = arith.constant 80 : i32
      %add3A_69 = arith.addi %mul3A_42, %add3A_68 : i32
      %get3A_70 = arith.index_cast %add3A_69 : i32 to index
      %get3A_71 = tpu.vector_load %arg5[%get3A_70] {strides = array<i32>} : memref<102400xf32, #tpu.memory_space<vmem>>, vector<16xf32>,
      %get3A_72 = vector.shape_cast %get3A_71 : vector<16xf32> to vector<16xf32>
      %max3A_73 = arith.maximumf %max3A_67, %get3A_72 : vector<16xf32>
      %add3A_74 = arith.constant 96 : i32
      %add3A_75 = arith.addi %mul3A_42, %add3A_74 : i32
      %get3A_76 = arith.index_cast %add3A_75 : i32 to index
      %get3A_77 = tpu.vector_load %arg5[%get3A_76] {strides = array<i32>} : memref<102400xf32, #tpu.memory_space<vmem>>, vector<16xf32>,
      %get3A_78 = vector.shape_cast %get3A_77 : vector<16xf32> to vector<16xf32>
      %max3A_79 = arith.maximumf %max3A_73, %get3A_78 : vector<16xf32>
      %add3A_80 = arith.constant 112 : i32
      %add3A_81 = arith.addi %mul3A_42, %add3A_80 : i32
      %get3A_82 = arith.index_cast %add3A_81 : i32 to index
      %get3A_83 = tpu.vector_load %arg5[%get3A_82] {strides = array<i32>} : memref<102400xf32, #tpu.memory_space<vmem>>, vector<16xf32>,
      %get3A_84 = vector.shape_cast %get3A_83 : vector<16xf32> to vector<16xf32>
      %max3A_85 = arith.maximumf %max3A_79, %get3A_84 : vector<16xf32>
      %add3A_86 = arith.constant 128 : i32
      %add3A_87 = arith.addi %mul3A_42, %add3A_86 : i32
      %get3A_88 = arith.index_cast %add3A_87 : i32 to index
      %get3A_89 = tpu.vector_load %arg5[%get3A_88] {strides = array<i32>} : memref<102400xf32, #tpu.memory_space<vmem>>, vector<16xf32>,
      %get3A_90 = vector.shape_cast %get3A_89 : vector<16xf32> to vector<16xf32>
      %max3A_91 = arith.maximumf %max3A_85, %get3A_90 : vector<16xf32>
      %add3A_92 = arith.constant 144 : i32
      %add3A_93 = arith.addi %mul3A_42, %add3A_92 : i32
      %get3A_94 = arith.index_cast %add3A_93 : i32 to index
      %get3A_95 = tpu.vector_load %arg5[%get3A_94] {strides = array<i32>} : memref<102400xf32, #tpu.memory_space<vmem>>, vector<16xf32>,
      %get3A_96 = vector.shape_cast %get3A_95 : vector<16xf32> to vector<16xf32>
      %max3A_97 = arith.maximumf %max3A_91, %get3A_96 : vector<16xf32>
      %add3A_98 = arith.constant 160 : i32
      %add3A_99 = arith.addi %mul3A_42, %add3A_98 : i32
      %get3A_100 = arith.index_cast %add3A_99 : i32 to index
      %get3A_101 = tpu.vector_load %arg5[%get3A_100] {strides = array<i32>} : memref<102400xf32, #tpu.memory_space<vmem>>, vector<16xf32>,
      %get3A_102 = vector.shape_cast %get3A_101 : vector<16xf32> to vector<16xf32>
      %max3A_103 = arith.maximumf %max3A_97, %get3A_102 : vector<16xf32>
      %add3A_104 = arith.constant 176 : i32
      %add3A_105 = arith.addi %mul3A_42, %add3A_104 : i32
      %get3A_106 = arith.index_cast %add3A_105 : i32 to index
      %get3A_107 = tpu.vector_load %arg5[%get3A_106] {strides = array<i32>} : memref<102400xf32, #tpu.memory_space<vmem>>, vector<16xf32>,
      %get3A_108 = vector.shape_cast %get3A_107 : vector<16xf32> to vector<16xf32>
      %max3A_109 = arith.maximumf %max3A_103, %get3A_108 : vector<16xf32>
      %add3A_110 = arith.constant 192 : i32
      %add3A_111 = arith.addi %mul3A_42, %add3A_110 : i32
      %get3A_112 = arith.index_cast %add3A_111 : i32 to index
      %get3A_113 = tpu.vector_load %arg5[%get3A_112] {strides = array<i32>} : memref<102400xf32, #tpu.memory_space<vmem>>, vector<16xf32>,
      %get3A_114 = vector.shape_cast %get3A_113 : vector<16xf32> to vector<16xf32>
      %max3A_115 = arith.maximumf %max3A_109, %get3A_114 : vector<16xf32>
      %add3A_116 = arith.constant 208 : i32
      %add3A_117 = arith.addi %mul3A_42, %add3A_116 : i32
      %get3A_118 = arith.index_cast %add3A_117 : i32 to index
      %get3A_119 = tpu.vector_load %arg5[%get3A_118] {strides = array<i32>} : memref<102400xf32, #tpu.memory_space<vmem>>, vector<16xf32>,
      %get3A_120 = vector.shape_cast %get3A_119 : vector<16xf32> to vector<16xf32>
      %max3A_121 = arith.maximumf %max3A_115, %get3A_120 : vector<16xf32>
      %add3A_122 = arith.constant 224 : i32
      %add3A_123 = arith.addi %mul3A_42, %add3A_122 : i32
      %get3A_124 = arith.index_cast %add3A_123 : i32 to index
      %get3A_125 = tpu.vector_load %arg5[%get3A_124] {strides = array<i32>} : memref<102400xf32, #tpu.memory_space<vmem>>, vector<16xf32>,
      %get3A_126 = vector.shape_cast %get3A_125 : vector<16xf32> to vector<16xf32>
      %max3A_127 = arith.maximumf %max3A_121, %get3A_126 : vector<16xf32>
      %add3A_128 = arith.constant 240 : i32
      %add3A_129 = arith.addi %mul3A_42, %add3A_128 : i32
      %get3A_130 = arith.index_cast %add3A_129 : i32 to index
      %get3A_131 = tpu.vector_load %arg5[%get3A_130] {strides = array<i32>} : memref<102400xf32, #tpu.memory_space<vmem>>, vector<16xf32>,
      %get3A_132 = vector.shape_cast %get3A_131 : vector<16xf32> to vector<16xf32>
      %max3A_133 = arith.maximumf %max3A_127, %get3A_132 : vector<16xf32>
      %mul3A_134 = arith.constant 16 : i32
      %mul3A_135 = arith.muli %scan3A_40, %mul3A_134 : i32
      %swap3A = arith.index_cast %mul3A_135 : i32 to index
      %swap3A_136 = tpu.vector_load %arg6[%swap3A] {strides = array<i32>} : memref<6400xf32, #tpu.memory_space<vmem>>, vector<16xf32>,
      %swap3A_137 = vector.shape_cast %swap3A_136 : vector<16xf32> to vector<16xf32>
      %swap3A_138 = vector.shape_cast %max3A_133 : vector<16xf32> to vector<16xf32>
      tpu.vector_store %arg6[%swap3A], %swap3A_138 {strides = array<i32>} : memref<6400xf32, #tpu.memory_space<vmem>>, vector<16xf32>,
    }
    %scan3A_8 = arith.constant 400 : i32
    %scan3A_9 = arith.constant 0 : i32
    %scan3A_10 = arith.constant 0 : i32
    %scan3A_11 = arith.constant 25 : i32
    %scan3A_12 = arith.addi %scan3A_10, %scan3A_11 : i32
    %scan3A_13 = arith.constant 1 : i32
    scf.for %scan3A_40 = %scan3A_10 to %scan3A_12 step %scan3A_13  : i32 {
      %mul3A_41 = arith.constant 256 : i32
      %mul3A_42 = arith.muli %scan3A_40, %mul3A_41 : i32
      %get3A = arith.index_cast %mul3A_42 : i32 to index
      %get3A_43 = tpu.vector_load %arg6[%get3A] {strides = array<i32>} : memref<6400xf32, #tpu.memory_space<vmem>>, vector<16xf32>,
      %get3A_44 = vector.shape_cast %get3A_43 : vector<16xf32> to vector<16xf32>
      %broadcast_in_dim3A_45 = arith.constant 0 : i32
      %broadcast_in_dim3A_46 = vector.broadcast %broadcast_in_dim3A_45 : i32 to vector<16xi32>
      %mul3A_47 = arith.constant 16 : i32
      %mul3A_48 = arith.muli %scan3A_40, %mul3A_47 : i32
      %add3A_49 = vector.broadcast %mul3A_48 : i32 to vector<16xi32>
      %add3A_50 = arith.addi %broadcast_in_dim3A_46, %add3A_49 : vector<16xi32>
      %mul3A_51 = arith.constant 256 : i32
      %mul3A_52 = arith.muli %scan3A_40, %mul3A_51 : i32
      %add3A_53 = arith.constant 16 : i32
      %add3A_54 = arith.addi %mul3A_52, %add3A_53 : i32
      %get3A_55 = arith.index_cast %add3A_54 : i32 to index
      %get3A_56 = tpu.vector_load %arg6[%get3A_55] {strides = array<i32>} : memref<6400xf32, #tpu.memory_space<vmem>>, vector<16xf32>,
      %get3A_57 = vector.shape_cast %get3A_56 : vector<16xf32> to vector<16xf32>
      %broadcast_in_dim3A_58 = arith.constant 0 : i32
      %broadcast_in_dim3A_59 = vector.broadcast %broadcast_in_dim3A_58 : i32 to vector<16xi32>
      %mul3A_60 = arith.constant 16 : i32
      %mul3A_61 = arith.muli %scan3A_40, %mul3A_60 : i32
      %add3A_62 = arith.constant 1 : i32
      %add3A_63 = arith.addi %mul3A_61, %add3A_62 : i32
      %add3A_64 = vector.broadcast %add3A_63 : i32 to vector<16xi32>
      %add3A_65 = arith.addi %broadcast_in_dim3A_59, %add3A_64 : vector<16xi32>
      %gt3A = arith.cmpf ogt, %get3A_57, %get3A_44 : vector<16xf32>
      %select_n3A = arith.select %gt3A, %get3A_57, %get3A_44 : vector<16xi1>, vector<16xf32>
      %select_n3A_66 = arith.select %gt3A, %add3A_65, %add3A_50 : vector<16xi1>, vector<16xi32>
      %mul3A_67 = arith.constant 256 : i32
      %mul3A_68 = arith.muli %scan3A_40, %mul3A_67 : i32
      %add3A_69 = arith.constant 32 : i32
      %add3A_70 = arith.addi %mul3A_68, %add3A_69 : i32
      %get3A_71 = arith.index_cast %add3A_70 : i32 to index
      %get3A_72 = tpu.vector_load %arg6[%get3A_71] {strides = array<i32>} : memref<6400xf32, #tpu.memory_space<vmem>>, vector<16xf32>,
      %get3A_73 = vector.shape_cast %get3A_72 : vector<16xf32> to vector<16xf32>
      %broadcast_in_dim3A_74 = arith.constant 0 : i32
      %broadcast_in_dim3A_75 = vector.broadcast %broadcast_in_dim3A_74 : i32 to vector<16xi32>
      %mul3A_76 = arith.constant 16 : i32
      %mul3A_77 = arith.muli %scan3A_40, %mul3A_76 : i32
      %add3A_78 = arith.constant 2 : i32
      %add3A_79 = arith.addi %mul3A_77, %add3A_78 : i32
      %add3A_80 = vector.broadcast %add3A_79 : i32 to vector<16xi32>
      %add3A_81 = arith.addi %broadcast_in_dim3A_75, %add3A_80 : vector<16xi32>
      %gt3A_82 = arith.cmpf ogt, %get3A_73, %select_n3A : vector<16xf32>
      %select_n3A_83 = arith.select %gt3A_82, %get3A_73, %select_n3A : vector<16xi1>, vector<16xf32>
      %select_n3A_84 = arith.select %gt3A_82, %add3A_81, %select_n3A_66 : vector<16xi1>, vector<16xi32>
      %mul3A_85 = arith.constant 256 : i32
      %mul3A_86 = arith.muli %scan3A_40, %mul3A_85 : i32
      %add3A_87 = arith.constant 48 : i32
      %add3A_88 = arith.addi %mul3A_86, %add3A_87 : i32
      %get3A_89 = arith.index_cast %add3A_88 : i32 to index
      %get3A_90 = tpu.vector_load %arg6[%get3A_89] {strides = array<i32>} : memref<6400xf32, #tpu.memory_space<vmem>>, vector<16xf32>,
      %get3A_91 = vector.shape_cast %get3A_90 : vector<16xf32> to vector<16xf32>
      %broadcast_in_dim3A_92 = arith.constant 0 : i32
      %broadcast_in_dim3A_93 = vector.broadcast %broadcast_in_dim3A_92 : i32 to vector<16xi32>
      %mul3A_94 = arith.constant 16 : i32
      %mul3A_95 = arith.muli %scan3A_40, %mul3A_94 : i32
      %add3A_96 = arith.constant 3 : i32
      %add3A_97 = arith.addi %mul3A_95, %add3A_96 : i32
      %add3A_98 = vector.broadcast %add3A_97 : i32 to vector<16xi32>
      %add3A_99 = arith.addi %broadcast_in_dim3A_93, %add3A_98 : vector<16xi32>
      %gt3A_100 = arith.cmpf ogt, %get3A_91, %select_n3A_83 : vector<16xf32>
      %select_n3A_101 = arith.select %gt3A_100, %get3A_91, %select_n3A_83 : vector<16xi1>, vector<16xf32>
      %select_n3A_102 = arith.select %gt3A_100, %add3A_99, %select_n3A_84 : vector<16xi1>, vector<16xi32>
      %mul3A_103 = arith.constant 256 : i32
      %mul3A_104 = arith.muli %scan3A_40, %mul3A_103 : i32
      %add3A_105 = arith.constant 64 : i32
      %add3A_106 = arith.addi %mul3A_104, %add3A_105 : i32
      %get3A_107 = arith.index_cast %add3A_106 : i32 to index
      %get3A_108 = tpu.vector_load %arg6[%get3A_107] {strides = array<i32>} : memref<6400xf32, #tpu.memory_space<vmem>>, vector<16xf32>,
      %get3A_109 = vector.shape_cast %get3A_108 : vector<16xf32> to vector<16xf32>
      %broadcast_in_dim3A_110 = arith.constant 0 : i32
      %broadcast_in_dim3A_111 = vector.broadcast %broadcast_in_dim3A_110 : i32 to vector<16xi32>
      %mul3A_112 = arith.constant 16 : i32
      %mul3A_113 = arith.muli %scan3A_40, %mul3A_112 : i32
      %add3A_114 = arith.constant 4 : i32
      %add3A_115 = arith.addi %mul3A_113, %add3A_114 : i32
      %add3A_116 = vector.broadcast %add3A_115 : i32 to vector<16xi32>
      %add3A_117 = arith.addi %broadcast_in_dim3A_111, %add3A_116 : vector<16xi32>
      %gt3A_118 = arith.cmpf ogt, %get3A_109, %select_n3A_101 : vector<16xf32>
      %select_n3A_119 = arith.select %gt3A_118, %get3A_109, %select_n3A_101 : vector<16xi1>, vector<16xf32>
      %select_n3A_120 = arith.select %gt3A_118, %add3A_117, %select_n3A_102 : vector<16xi1>, vector<16xi32>
      %mul3A_121 = arith.constant 256 : i32
      %mul3A_122 = arith.muli %scan3A_40, %mul3A_121 : i32
      %add3A_123 = arith.constant 80 : i32
      %add3A_124 = arith.addi %mul3A_122, %add3A_123 : i32
      %get3A_125 = arith.index_cast %add3A_124 : i32 to index
      %get3A_126 = tpu.vector_load %arg6[%get3A_125] {strides = array<i32>} : memref<6400xf32, #tpu.memory_space<vmem>>, vector<16xf32>,
      %get3A_127 = vector.shape_cast %get3A_126 : vector<16xf32> to vector<16xf32>
      %broadcast_in_dim3A_128 = arith.constant 0 : i32
      %broadcast_in_dim3A_129 = vector.broadcast %broadcast_in_dim3A_128 : i32 to vector<16xi32>
      %mul3A_130 = arith.constant 16 : i32
      %mul3A_131 = arith.muli %scan3A_40, %mul3A_130 : i32
      %add3A_132 = arith.constant 5 : i32
      %add3A_133 = arith.addi %mul3A_131, %add3A_132 : i32
      %add3A_134 = vector.broadcast %add3A_133 : i32 to vector<16xi32>
      %add3A_135 = arith.addi %broadcast_in_dim3A_129, %add3A_134 : vector<16xi32>
      %gt3A_136 = arith.cmpf ogt, %get3A_127, %select_n3A_119 : vector<16xf32>
      %select_n3A_137 = arith.select %gt3A_136, %get3A_127, %select_n3A_119 : vector<16xi1>, vector<16xf32>
      %select_n3A_138 = arith.select %gt3A_136, %add3A_135, %select_n3A_120 : vector<16xi1>, vector<16xi32>
      %mul3A_139 = arith.constant 256 : i32
      %mul3A_140 = arith.muli %scan3A_40, %mul3A_139 : i32
      %add3A_141 = arith.constant 96 : i32
      %add3A_142 = arith.addi %mul3A_140, %add3A_141 : i32
      %get3A_143 = arith.index_cast %add3A_142 : i32 to index
      %get3A_144 = tpu.vector_load %arg6[%get3A_143] {strides = array<i32>} : memref<6400xf32, #tpu.memory_space<vmem>>, vector<16xf32>,
      %get3A_145 = vector.shape_cast %get3A_144 : vector<16xf32> to vector<16xf32>
      %broadcast_in_dim3A_146 = arith.constant 0 : i32
      %broadcast_in_dim3A_147 = vector.broadcast %broadcast_in_dim3A_146 : i32 to vector<16xi32>
      %mul3A_148 = arith.constant 16 : i32
      %mul3A_149 = arith.muli %scan3A_40, %mul3A_148 : i32
      %add3A_150 = arith.constant 6 : i32
      %add3A_151 = arith.addi %mul3A_149, %add3A_150 : i32
      %add3A_152 = vector.broadcast %add3A_151 : i32 to vector<16xi32>
      %add3A_153 = arith.addi %broadcast_in_dim3A_147, %add3A_152 : vector<16xi32>
      %gt3A_154 = arith.cmpf ogt, %get3A_145, %select_n3A_137 : vector<16xf32>
      %select_n3A_155 = arith.select %gt3A_154, %get3A_145, %select_n3A_137 : vector<16xi1>, vector<16xf32>
      %select_n3A_156 = arith.select %gt3A_154, %add3A_153, %select_n3A_138 : vector<16xi1>, vector<16xi32>
      %mul3A_157 = arith.constant 256 : i32
      %mul3A_158 = arith.muli %scan3A_40, %mul3A_157 : i32
      %add3A_159 = arith.constant 112 : i32
      %add3A_160 = arith.addi %mul3A_158, %add3A_159 : i32
      %get3A_161 = arith.index_cast %add3A_160 : i32 to index
      %get3A_162 = tpu.vector_load %arg6[%get3A_161] {strides = array<i32>} : memref<6400xf32, #tpu.memory_space<vmem>>, vector<16xf32>,
      %get3A_163 = vector.shape_cast %get3A_162 : vector<16xf32> to vector<16xf32>
      %broadcast_in_dim3A_164 = arith.constant 0 : i32
      %broadcast_in_dim3A_165 = vector.broadcast %broadcast_in_dim3A_164 : i32 to vector<16xi32>
      %mul3A_166 = arith.constant 16 : i32
      %mul3A_167 = arith.muli %scan3A_40, %mul3A_166 : i32
      %add3A_168 = arith.constant 7 : i32
      %add3A_169 = arith.addi %mul3A_167, %add3A_168 : i32
      %add3A_170 = vector.broadcast %add3A_169 : i32 to vector<16xi32>
      %add3A_171 = arith.addi %broadcast_in_dim3A_165, %add3A_170 : vector<16xi32>
      %gt3A_172 = arith.cmpf ogt, %get3A_163, %select_n3A_155 : vector<16xf32>
      %select_n3A_173 = arith.select %gt3A_172, %get3A_163, %select_n3A_155 : vector<16xi1>, vector<16xf32>
      %select_n3A_174 = arith.select %gt3A_172, %add3A_171, %select_n3A_156 : vector<16xi1>, vector<16xi32>
      %mul3A_175 = arith.constant 256 : i32
      %mul3A_176 = arith.muli %scan3A_40, %mul3A_175 : i32
      %add3A_177 = arith.constant 128 : i32
      %add3A_178 = arith.addi %mul3A_176, %add3A_177 : i32
      %get3A_179 = arith.index_cast %add3A_178 : i32 to index
      %get3A_180 = tpu.vector_load %arg6[%get3A_179] {strides = array<i32>} : memref<6400xf32, #tpu.memory_space<vmem>>, vector<16xf32>,
      %get3A_181 = vector.shape_cast %get3A_180 : vector<16xf32> to vector<16xf32>
      %broadcast_in_dim3A_182 = arith.constant 0 : i32
      %broadcast_in_dim3A_183 = vector.broadcast %broadcast_in_dim3A_182 : i32 to vector<16xi32>
      %mul3A_184 = arith.constant 16 : i32
      %mul3A_185 = arith.muli %scan3A_40, %mul3A_184 : i32
      %add3A_186 = arith.constant 8 : i32
      %add3A_187 = arith.addi %mul3A_185, %add3A_186 : i32
      %add3A_188 = vector.broadcast %add3A_187 : i32 to vector<16xi32>
      %add3A_189 = arith.addi %broadcast_in_dim3A_183, %add3A_188 : vector<16xi32>
      %gt3A_190 = arith.cmpf ogt, %get3A_181, %select_n3A_173 : vector<16xf32>
      %select_n3A_191 = arith.select %gt3A_190, %get3A_181, %select_n3A_173 : vector<16xi1>, vector<16xf32>
      %select_n3A_192 = arith.select %gt3A_190, %add3A_189, %select_n3A_174 : vector<16xi1>, vector<16xi32>
      %mul3A_193 = arith.constant 256 : i32
      %mul3A_194 = arith.muli %scan3A_40, %mul3A_193 : i32
      %add3A_195 = arith.constant 144 : i32
      %add3A_196 = arith.addi %mul3A_194, %add3A_195 : i32
      %get3A_197 = arith.index_cast %add3A_196 : i32 to index
      %get3A_198 = tpu.vector_load %arg6[%get3A_197] {strides = array<i32>} : memref<6400xf32, #tpu.memory_space<vmem>>, vector<16xf32>,
      %get3A_199 = vector.shape_cast %get3A_198 : vector<16xf32> to vector<16xf32>
      %broadcast_in_dim3A_200 = arith.constant 0 : i32
      %broadcast_in_dim3A_201 = vector.broadcast %broadcast_in_dim3A_200 : i32 to vector<16xi32>
      %mul3A_202 = arith.constant 16 : i32
      %mul3A_203 = arith.muli %scan3A_40, %mul3A_202 : i32
      %add3A_204 = arith.constant 9 : i32
      %add3A_205 = arith.addi %mul3A_203, %add3A_204 : i32
      %add3A_206 = vector.broadcast %add3A_205 : i32 to vector<16xi32>
      %add3A_207 = arith.addi %broadcast_in_dim3A_201, %add3A_206 : vector<16xi32>
      %gt3A_208 = arith.cmpf ogt, %get3A_199, %select_n3A_191 : vector<16xf32>
      %select_n3A_209 = arith.select %gt3A_208, %get3A_199, %select_n3A_191 : vector<16xi1>, vector<16xf32>
      %select_n3A_210 = arith.select %gt3A_208, %add3A_207, %select_n3A_192 : vector<16xi1>, vector<16xi32>
      %mul3A_211 = arith.constant 256 : i32
      %mul3A_212 = arith.muli %scan3A_40, %mul3A_211 : i32
      %add3A_213 = arith.constant 160 : i32
      %add3A_214 = arith.addi %mul3A_212, %add3A_213 : i32
      %get3A_215 = arith.index_cast %add3A_214 : i32 to index
      %get3A_216 = tpu.vector_load %arg6[%get3A_215] {strides = array<i32>} : memref<6400xf32, #tpu.memory_space<vmem>>, vector<16xf32>,
      %get3A_217 = vector.shape_cast %get3A_216 : vector<16xf32> to vector<16xf32>
      %broadcast_in_dim3A_218 = arith.constant 0 : i32
      %broadcast_in_dim3A_219 = vector.broadcast %broadcast_in_dim3A_218 : i32 to vector<16xi32>
      %mul3A_220 = arith.constant 16 : i32
      %mul3A_221 = arith.muli %scan3A_40, %mul3A_220 : i32
      %add3A_222 = arith.constant 10 : i32
      %add3A_223 = arith.addi %mul3A_221, %add3A_222 : i32
      %add3A_224 = vector.broadcast %add3A_223 : i32 to vector<16xi32>
      %add3A_225 = arith.addi %broadcast_in_dim3A_219, %add3A_224 : vector<16xi32>
      %gt3A_226 = arith.cmpf ogt, %get3A_217, %select_n3A_209 : vector<16xf32>
      %select_n3A_227 = arith.select %gt3A_226, %get3A_217, %select_n3A_209 : vector<16xi1>, vector<16xf32>
      %select_n3A_228 = arith.select %gt3A_226, %add3A_225, %select_n3A_210 : vector<16xi1>, vector<16xi32>
      %mul3A_229 = arith.constant 256 : i32
      %mul3A_230 = arith.muli %scan3A_40, %mul3A_229 : i32
      %add3A_231 = arith.constant 176 : i32
      %add3A_232 = arith.addi %mul3A_230, %add3A_231 : i32
      %get3A_233 = arith.index_cast %add3A_232 : i32 to index
      %get3A_234 = tpu.vector_load %arg6[%get3A_233] {strides = array<i32>} : memref<6400xf32, #tpu.memory_space<vmem>>, vector<16xf32>,
      %get3A_235 = vector.shape_cast %get3A_234 : vector<16xf32> to vector<16xf32>
      %broadcast_in_dim3A_236 = arith.constant 0 : i32
      %broadcast_in_dim3A_237 = vector.broadcast %broadcast_in_dim3A_236 : i32 to vector<16xi32>
      %mul3A_238 = arith.constant 16 : i32
      %mul3A_239 = arith.muli %scan3A_40, %mul3A_238 : i32
      %add3A_240 = arith.constant 11 : i32
      %add3A_241 = arith.addi %mul3A_239, %add3A_240 : i32
      %add3A_242 = vector.broadcast %add3A_241 : i32 to vector<16xi32>
      %add3A_243 = arith.addi %broadcast_in_dim3A_237, %add3A_242 : vector<16xi32>
      %gt3A_244 = arith.cmpf ogt, %get3A_235, %select_n3A_227 : vector<16xf32>
      %select_n3A_245 = arith.select %gt3A_244, %get3A_235, %select_n3A_227 : vector<16xi1>, vector<16xf32>
      %select_n3A_246 = arith.select %gt3A_244, %add3A_243, %select_n3A_228 : vector<16xi1>, vector<16xi32>
      %mul3A_247 = arith.constant 256 : i32
      %mul3A_248 = arith.muli %scan3A_40, %mul3A_247 : i32
      %add3A_249 = arith.constant 192 : i32
      %add3A_250 = arith.addi %mul3A_248, %add3A_249 : i32
      %get3A_251 = arith.index_cast %add3A_250 : i32 to index
      %get3A_252 = tpu.vector_load %arg6[%get3A_251] {strides = array<i32>} : memref<6400xf32, #tpu.memory_space<vmem>>, vector<16xf32>,
      %get3A_253 = vector.shape_cast %get3A_252 : vector<16xf32> to vector<16xf32>
      %broadcast_in_dim3A_254 = arith.constant 0 : i32
      %broadcast_in_dim3A_255 = vector.broadcast %broadcast_in_dim3A_254 : i32 to vector<16xi32>
      %mul3A_256 = arith.constant 16 : i32
      %mul3A_257 = arith.muli %scan3A_40, %mul3A_256 : i32
      %add3A_258 = arith.constant 12 : i32
      %add3A_259 = arith.addi %mul3A_257, %add3A_258 : i32
      %add3A_260 = vector.broadcast %add3A_259 : i32 to vector<16xi32>
      %add3A_261 = arith.addi %broadcast_in_dim3A_255, %add3A_260 : vector<16xi32>
      %gt3A_262 = arith.cmpf ogt, %get3A_253, %select_n3A_245 : vector<16xf32>
      %select_n3A_263 = arith.select %gt3A_262, %get3A_253, %select_n3A_245 : vector<16xi1>, vector<16xf32>
      %select_n3A_264 = arith.select %gt3A_262, %add3A_261, %select_n3A_246 : vector<16xi1>, vector<16xi32>
      %mul3A_265 = arith.constant 256 : i32
      %mul3A_266 = arith.muli %scan3A_40, %mul3A_265 : i32
      %add3A_267 = arith.constant 208 : i32
      %add3A_268 = arith.addi %mul3A_266, %add3A_267 : i32
      %get3A_269 = arith.index_cast %add3A_268 : i32 to index
      %get3A_270 = tpu.vector_load %arg6[%get3A_269] {strides = array<i32>} : memref<6400xf32, #tpu.memory_space<vmem>>, vector<16xf32>,
      %get3A_271 = vector.shape_cast %get3A_270 : vector<16xf32> to vector<16xf32>
      %broadcast_in_dim3A_272 = arith.constant 0 : i32
      %broadcast_in_dim3A_273 = vector.broadcast %broadcast_in_dim3A_272 : i32 to vector<16xi32>
      %mul3A_274 = arith.constant 16 : i32
      %mul3A_275 = arith.muli %scan3A_40, %mul3A_274 : i32
      %add3A_276 = arith.constant 13 : i32
      %add3A_277 = arith.addi %mul3A_275, %add3A_276 : i32
      %add3A_278 = vector.broadcast %add3A_277 : i32 to vector<16xi32>
      %add3A_279 = arith.addi %broadcast_in_dim3A_273, %add3A_278 : vector<16xi32>
      %gt3A_280 = arith.cmpf ogt, %get3A_271, %select_n3A_263 : vector<16xf32>
      %select_n3A_281 = arith.select %gt3A_280, %get3A_271, %select_n3A_263 : vector<16xi1>, vector<16xf32>
      %select_n3A_282 = arith.select %gt3A_280, %add3A_279, %select_n3A_264 : vector<16xi1>, vector<16xi32>
      %mul3A_283 = arith.constant 256 : i32
      %mul3A_284 = arith.muli %scan3A_40, %mul3A_283 : i32
      %add3A_285 = arith.constant 224 : i32
      %add3A_286 = arith.addi %mul3A_284, %add3A_285 : i32
      %get3A_287 = arith.index_cast %add3A_286 : i32 to index
      %get3A_288 = tpu.vector_load %arg6[%get3A_287] {strides = array<i32>} : memref<6400xf32, #tpu.memory_space<vmem>>, vector<16xf32>,
      %get3A_289 = vector.shape_cast %get3A_288 : vector<16xf32> to vector<16xf32>
      %broadcast_in_dim3A_290 = arith.constant 0 : i32
      %broadcast_in_dim3A_291 = vector.broadcast %broadcast_in_dim3A_290 : i32 to vector<16xi32>
      %mul3A_292 = arith.constant 16 : i32
      %mul3A_293 = arith.muli %scan3A_40, %mul3A_292 : i32
      %add3A_294 = arith.constant 14 : i32
      %add3A_295 = arith.addi %mul3A_293, %add3A_294 : i32
      %add3A_296 = vector.broadcast %add3A_295 : i32 to vector<16xi32>
      %add3A_297 = arith.addi %broadcast_in_dim3A_291, %add3A_296 : vector<16xi32>
      %gt3A_298 = arith.cmpf ogt, %get3A_289, %select_n3A_281 : vector<16xf32>
      %select_n3A_299 = arith.select %gt3A_298, %get3A_289, %select_n3A_281 : vector<16xi1>, vector<16xf32>
      %select_n3A_300 = arith.select %gt3A_298, %add3A_297, %select_n3A_282 : vector<16xi1>, vector<16xi32>
      %mul3A_301 = arith.constant 256 : i32
      %mul3A_302 = arith.muli %scan3A_40, %mul3A_301 : i32
      %add3A_303 = arith.constant 240 : i32
      %add3A_304 = arith.addi %mul3A_302, %add3A_303 : i32
      %get3A_305 = arith.index_cast %add3A_304 : i32 to index
      %get3A_306 = tpu.vector_load %arg6[%get3A_305] {strides = array<i32>} : memref<6400xf32, #tpu.memory_space<vmem>>, vector<16xf32>,
      %get3A_307 = vector.shape_cast %get3A_306 : vector<16xf32> to vector<16xf32>
      %broadcast_in_dim3A_308 = arith.constant 0 : i32
      %broadcast_in_dim3A_309 = vector.broadcast %broadcast_in_dim3A_308 : i32 to vector<16xi32>
      %mul3A_310 = arith.constant 16 : i32
      %mul3A_311 = arith.muli %scan3A_40, %mul3A_310 : i32
      %add3A_312 = arith.constant 15 : i32
      %add3A_313 = arith.addi %mul3A_311, %add3A_312 : i32
      %add3A_314 = vector.broadcast %add3A_313 : i32 to vector<16xi32>
      %add3A_315 = arith.addi %broadcast_in_dim3A_309, %add3A_314 : vector<16xi32>
      %gt3A_316 = arith.cmpf ogt, %get3A_307, %select_n3A_299 : vector<16xf32>
      %select_n3A_317 = arith.select %gt3A_316, %get3A_307, %select_n3A_299 : vector<16xi1>, vector<16xf32>
      %select_n3A_318 = arith.select %gt3A_316, %add3A_315, %select_n3A_300 : vector<16xi1>, vector<16xi32>
      %mul3A_319 = arith.constant 16 : i32
      %mul3A_320 = arith.muli %scan3A_40, %mul3A_319 : i32
      %swap3A = arith.index_cast %mul3A_320 : i32 to index
      %swap3A_321 = tpu.vector_load %arg7[%swap3A] {strides = array<i32>} : memref<400xf32, #tpu.memory_space<vmem>>, vector<16xf32>,
      %swap3A_322 = vector.shape_cast %swap3A_321 : vector<16xf32> to vector<16xf32>
      %swap3A_323 = vector.shape_cast %select_n3A_317 : vector<16xf32> to vector<16xf32>
      tpu.vector_store %arg7[%swap3A], %swap3A_323 {strides = array<i32>} : memref<400xf32, #tpu.memory_space<vmem>>, vector<16xf32>,
      %mul3A_324 = arith.constant 16 : i32
      %mul3A_325 = arith.muli %scan3A_40, %mul3A_324 : i32
      %swap3A_326 = arith.index_cast %mul3A_325 : i32 to index
      %swap3A_327 = tpu.vector_load %arg8[%swap3A_326] {strides = array<i32>} : memref<400xi32, #tpu.memory_space<vmem>>, vector<16xi32>,
      %swap3A_328 = vector.shape_cast %swap3A_327 : vector<16xi32> to vector<16xi32>
      %swap3A_329 = vector.shape_cast %select_n3A_318 : vector<16xi32> to vector<16xi32>
      tpu.vector_store %arg8[%swap3A_326], %swap3A_329 {strides = array<i32>} : memref<400xi32, #tpu.memory_space<vmem>>, vector<16xi32>,
    }
    %scan3A_14 = arith.constant 25 : i32
    %scan3A_15 = arith.constant 0 : i32
    %scan3A_16 = arith.constant 0xFF800000 : f32
    %scan3A_17 = arith.constant 0 : i32
    %scan3A_18 = arith.constant 64 : i32
    %scan3A_19 = arith.addi %scan3A_17, %scan3A_18 : i32
    %scan3A_20 = arith.constant 1 : i32
    scf.for %scan3A_40 = %scan3A_17 to %scan3A_19 step %scan3A_20  : i32 {
      %get3A = arith.constant 0 : index
      %get3A_41 = tpu.vector_load %arg7[%get3A] {strides = array<i32>} : memref<400xf32, #tpu.memory_space<vmem>>, vector<16xf32>,
      %get3A_42 = vector.shape_cast %get3A_41 : vector<16xf32> to vector<16xf32>
      %get3A_43 = arith.constant 0 : index
      %get3A_44 = tpu.vector_load %arg8[%get3A_43] {strides = array<i32>} : memref<400xi32, #tpu.memory_space<vmem>>, vector<16xi32>,
      %get3A_45 = vector.shape_cast %get3A_44 : vector<16xi32> to vector<16xi32>
      %get3A_46 = arith.constant 16 : index
      %get3A_47 = tpu.vector_load %arg7[%get3A_46] {strides = array<i32>} : memref<400xf32, #tpu.memory_space<vmem>>, vector<16xf32>,
      %get3A_48 = vector.shape_cast %get3A_47 : vector<16xf32> to vector<16xf32>
      %get3A_49 = arith.constant 16 : index
      %get3A_50 = tpu.vector_load %arg8[%get3A_49] {strides = array<i32>} : memref<400xi32, #tpu.memory_space<vmem>>, vector<16xi32>,
      %get3A_51 = vector.shape_cast %get3A_50 : vector<16xi32> to vector<16xi32>
      %gt3A = arith.cmpf ogt, %get3A_48, %get3A_42 : vector<16xf32>
      %select_n3A = arith.select %gt3A, %get3A_48, %get3A_42 : vector<16xi1>, vector<16xf32>
      %select_n3A_52 = arith.select %gt3A, %get3A_51, %get3A_45 : vector<16xi1>, vector<16xi32>
      %get3A_53 = arith.constant 32 : index
      %get3A_54 = tpu.vector_load %arg7[%get3A_53] {strides = array<i32>} : memref<400xf32, #tpu.memory_space<vmem>>, vector<16xf32>,
      %get3A_55 = vector.shape_cast %get3A_54 : vector<16xf32> to vector<16xf32>
      %get3A_56 = arith.constant 32 : index
      %get3A_57 = tpu.vector_load %arg8[%get3A_56] {strides = array<i32>} : memref<400xi32, #tpu.memory_space<vmem>>, vector<16xi32>,
      %get3A_58 = vector.shape_cast %get3A_57 : vector<16xi32> to vector<16xi32>
      %gt3A_59 = arith.cmpf ogt, %get3A_55, %select_n3A : vector<16xf32>
      %select_n3A_60 = arith.select %gt3A_59, %get3A_55, %select_n3A : vector<16xi1>, vector<16xf32>
      %select_n3A_61 = arith.select %gt3A_59, %get3A_58, %select_n3A_52 : vector<16xi1>, vector<16xi32>
      %get3A_62 = arith.constant 48 : index
      %get3A_63 = tpu.vector_load %arg7[%get3A_62] {strides = array<i32>} : memref<400xf32, #tpu.memory_space<vmem>>, vector<16xf32>,
      %get3A_64 = vector.shape_cast %get3A_63 : vector<16xf32> to vector<16xf32>
      %get3A_65 = arith.constant 48 : index
      %get3A_66 = tpu.vector_load %arg8[%get3A_65] {strides = array<i32>} : memref<400xi32, #tpu.memory_space<vmem>>, vector<16xi32>,
      %get3A_67 = vector.shape_cast %get3A_66 : vector<16xi32> to vector<16xi32>
      %gt3A_68 = arith.cmpf ogt, %get3A_64, %select_n3A_60 : vector<16xf32>
      %select_n3A_69 = arith.select %gt3A_68, %get3A_64, %select_n3A_60 : vector<16xi1>, vector<16xf32>
      %select_n3A_70 = arith.select %gt3A_68, %get3A_67, %select_n3A_61 : vector<16xi1>, vector<16xi32>
      %get3A_71 = arith.constant 64 : index
      %get3A_72 = tpu.vector_load %arg7[%get3A_71] {strides = array<i32>} : memref<400xf32, #tpu.memory_space<vmem>>, vector<16xf32>,
      %get3A_73 = vector.shape_cast %get3A_72 : vector<16xf32> to vector<16xf32>
      %get3A_74 = arith.constant 64 : index
      %get3A_75 = tpu.vector_load %arg8[%get3A_74] {strides = array<i32>} : memref<400xi32, #tpu.memory_space<vmem>>, vector<16xi32>,
      %get3A_76 = vector.shape_cast %get3A_75 : vector<16xi32> to vector<16xi32>
      %gt3A_77 = arith.cmpf ogt, %get3A_73, %select_n3A_69 : vector<16xf32>
      %select_n3A_78 = arith.select %gt3A_77, %get3A_73, %select_n3A_69 : vector<16xi1>, vector<16xf32>
      %select_n3A_79 = arith.select %gt3A_77, %get3A_76, %select_n3A_70 : vector<16xi1>, vector<16xi32>
      %get3A_80 = arith.constant 80 : index
      %get3A_81 = tpu.vector_load %arg7[%get3A_80] {strides = array<i32>} : memref<400xf32, #tpu.memory_space<vmem>>, vector<16xf32>,
      %get3A_82 = vector.shape_cast %get3A_81 : vector<16xf32> to vector<16xf32>
      %get3A_83 = arith.constant 80 : index
      %get3A_84 = tpu.vector_load %arg8[%get3A_83] {strides = array<i32>} : memref<400xi32, #tpu.memory_space<vmem>>, vector<16xi32>,
      %get3A_85 = vector.shape_cast %get3A_84 : vector<16xi32> to vector<16xi32>
      %gt3A_86 = arith.cmpf ogt, %get3A_82, %select_n3A_78 : vector<16xf32>
      %select_n3A_87 = arith.select %gt3A_86, %get3A_82, %select_n3A_78 : vector<16xi1>, vector<16xf32>
      %select_n3A_88 = arith.select %gt3A_86, %get3A_85, %select_n3A_79 : vector<16xi1>, vector<16xi32>
      %get3A_89 = arith.constant 96 : index
      %get3A_90 = tpu.vector_load %arg7[%get3A_89] {strides = array<i32>} : memref<400xf32, #tpu.memory_space<vmem>>, vector<16xf32>,
      %get3A_91 = vector.shape_cast %get3A_90 : vector<16xf32> to vector<16xf32>
      %get3A_92 = arith.constant 96 : index
      %get3A_93 = tpu.vector_load %arg8[%get3A_92] {strides = array<i32>} : memref<400xi32, #tpu.memory_space<vmem>>, vector<16xi32>,
      %get3A_94 = vector.shape_cast %get3A_93 : vector<16xi32> to vector<16xi32>
      %gt3A_95 = arith.cmpf ogt, %get3A_91, %select_n3A_87 : vector<16xf32>
      %select_n3A_96 = arith.select %gt3A_95, %get3A_91, %select_n3A_87 : vector<16xi1>, vector<16xf32>
      %select_n3A_97 = arith.select %gt3A_95, %get3A_94, %select_n3A_88 : vector<16xi1>, vector<16xi32>
      %get3A_98 = arith.constant 112 : index
      %get3A_99 = tpu.vector_load %arg7[%get3A_98] {strides = array<i32>} : memref<400xf32, #tpu.memory_space<vmem>>, vector<16xf32>,
      %get3A_100 = vector.shape_cast %get3A_99 : vector<16xf32> to vector<16xf32>
      %get3A_101 = arith.constant 112 : index
      %get3A_102 = tpu.vector_load %arg8[%get3A_101] {strides = array<i32>} : memref<400xi32, #tpu.memory_space<vmem>>, vector<16xi32>,
      %get3A_103 = vector.shape_cast %get3A_102 : vector<16xi32> to vector<16xi32>
      %gt3A_104 = arith.cmpf ogt, %get3A_100, %select_n3A_96 : vector<16xf32>
      %select_n3A_105 = arith.select %gt3A_104, %get3A_100, %select_n3A_96 : vector<16xi1>, vector<16xf32>
      %select_n3A_106 = arith.select %gt3A_104, %get3A_103, %select_n3A_97 : vector<16xi1>, vector<16xi32>
      %get3A_107 = arith.constant 128 : index
      %get3A_108 = tpu.vector_load %arg7[%get3A_107] {strides = array<i32>} : memref<400xf32, #tpu.memory_space<vmem>>, vector<16xf32>,
      %get3A_109 = vector.shape_cast %get3A_108 : vector<16xf32> to vector<16xf32>
      %get3A_110 = arith.constant 128 : index
      %get3A_111 = tpu.vector_load %arg8[%get3A_110] {strides = array<i32>} : memref<400xi32, #tpu.memory_space<vmem>>, vector<16xi32>,
      %get3A_112 = vector.shape_cast %get3A_111 : vector<16xi32> to vector<16xi32>
      %gt3A_113 = arith.cmpf ogt, %get3A_109, %select_n3A_105 : vector<16xf32>
      %select_n3A_114 = arith.select %gt3A_113, %get3A_109, %select_n3A_105 : vector<16xi1>, vector<16xf32>
      %select_n3A_115 = arith.select %gt3A_113, %get3A_112, %select_n3A_106 : vector<16xi1>, vector<16xi32>
      %get3A_116 = arith.constant 144 : index
      %get3A_117 = tpu.vector_load %arg7[%get3A_116] {strides = array<i32>} : memref<400xf32, #tpu.memory_space<vmem>>, vector<16xf32>,
      %get3A_118 = vector.shape_cast %get3A_117 : vector<16xf32> to vector<16xf32>
      %get3A_119 = arith.constant 144 : index
      %get3A_120 = tpu.vector_load %arg8[%get3A_119] {strides = array<i32>} : memref<400xi32, #tpu.memory_space<vmem>>, vector<16xi32>,
      %get3A_121 = vector.shape_cast %get3A_120 : vector<16xi32> to vector<16xi32>
      %gt3A_122 = arith.cmpf ogt, %get3A_118, %select_n3A_114 : vector<16xf32>
      %select_n3A_123 = arith.select %gt3A_122, %get3A_118, %select_n3A_114 : vector<16xi1>, vector<16xf32>
      %select_n3A_124 = arith.select %gt3A_122, %get3A_121, %select_n3A_115 : vector<16xi1>, vector<16xi32>
      %get3A_125 = arith.constant 160 : index
      %get3A_126 = tpu.vector_load %arg7[%get3A_125] {strides = array<i32>} : memref<400xf32, #tpu.memory_space<vmem>>, vector<16xf32>,
      %get3A_127 = vector.shape_cast %get3A_126 : vector<16xf32> to vector<16xf32>
      %get3A_128 = arith.constant 160 : index
      %get3A_129 = tpu.vector_load %arg8[%get3A_128] {strides = array<i32>} : memref<400xi32, #tpu.memory_space<vmem>>, vector<16xi32>,
      %get3A_130 = vector.shape_cast %get3A_129 : vector<16xi32> to vector<16xi32>
      %gt3A_131 = arith.cmpf ogt, %get3A_127, %select_n3A_123 : vector<16xf32>
      %select_n3A_132 = arith.select %gt3A_131, %get3A_127, %select_n3A_123 : vector<16xi1>, vector<16xf32>
      %select_n3A_133 = arith.select %gt3A_131, %get3A_130, %select_n3A_124 : vector<16xi1>, vector<16xi32>
      %get3A_134 = arith.constant 176 : index
      %get3A_135 = tpu.vector_load %arg7[%get3A_134] {strides = array<i32>} : memref<400xf32, #tpu.memory_space<vmem>>, vector<16xf32>,
      %get3A_136 = vector.shape_cast %get3A_135 : vector<16xf32> to vector<16xf32>
      %get3A_137 = arith.constant 176 : index
      %get3A_138 = tpu.vector_load %arg8[%get3A_137] {strides = array<i32>} : memref<400xi32, #tpu.memory_space<vmem>>, vector<16xi32>,
      %get3A_139 = vector.shape_cast %get3A_138 : vector<16xi32> to vector<16xi32>
      %gt3A_140 = arith.cmpf ogt, %get3A_136, %select_n3A_132 : vector<16xf32>
      %select_n3A_141 = arith.select %gt3A_140, %get3A_136, %select_n3A_132 : vector<16xi1>, vector<16xf32>
      %select_n3A_142 = arith.select %gt3A_140, %get3A_139, %select_n3A_133 : vector<16xi1>, vector<16xi32>
      %get3A_143 = arith.constant 192 : index
      %get3A_144 = tpu.vector_load %arg7[%get3A_143] {strides = array<i32>} : memref<400xf32, #tpu.memory_space<vmem>>, vector<16xf32>,
      %get3A_145 = vector.shape_cast %get3A_144 : vector<16xf32> to vector<16xf32>
      %get3A_146 = arith.constant 192 : index
      %get3A_147 = tpu.vector_load %arg8[%get3A_146] {strides = array<i32>} : memref<400xi32, #tpu.memory_space<vmem>>, vector<16xi32>,
      %get3A_148 = vector.shape_cast %get3A_147 : vector<16xi32> to vector<16xi32>
      %gt3A_149 = arith.cmpf ogt, %get3A_145, %select_n3A_141 : vector<16xf32>
      %select_n3A_150 = arith.select %gt3A_149, %get3A_145, %select_n3A_141 : vector<16xi1>, vector<16xf32>
      %select_n3A_151 = arith.select %gt3A_149, %get3A_148, %select_n3A_142 : vector<16xi1>, vector<16xi32>
      %get3A_152 = arith.constant 208 : index
      %get3A_153 = tpu.vector_load %arg7[%get3A_152] {strides = array<i32>} : memref<400xf32, #tpu.memory_space<vmem>>, vector<16xf32>,
      %get3A_154 = vector.shape_cast %get3A_153 : vector<16xf32> to vector<16xf32>
      %get3A_155 = arith.constant 208 : index
      %get3A_156 = tpu.vector_load %arg8[%get3A_155] {strides = array<i32>} : memref<400xi32, #tpu.memory_space<vmem>>, vector<16xi32>,
      %get3A_157 = vector.shape_cast %get3A_156 : vector<16xi32> to vector<16xi32>
      %gt3A_158 = arith.cmpf ogt, %get3A_154, %select_n3A_150 : vector<16xf32>
      %select_n3A_159 = arith.select %gt3A_158, %get3A_154, %select_n3A_150 : vector<16xi1>, vector<16xf32>
      %select_n3A_160 = arith.select %gt3A_158, %get3A_157, %select_n3A_151 : vector<16xi1>, vector<16xi32>
      %get3A_161 = arith.constant 224 : index
      %get3A_162 = tpu.vector_load %arg7[%get3A_161] {strides = array<i32>} : memref<400xf32, #tpu.memory_space<vmem>>, vector<16xf32>,
      %get3A_163 = vector.shape_cast %get3A_162 : vector<16xf32> to vector<16xf32>
      %get3A_164 = arith.constant 224 : index
      %get3A_165 = tpu.vector_load %arg8[%get3A_164] {strides = array<i32>} : memref<400xi32, #tpu.memory_space<vmem>>, vector<16xi32>,
      %get3A_166 = vector.shape_cast %get3A_165 : vector<16xi32> to vector<16xi32>
      %gt3A_167 = arith.cmpf ogt, %get3A_163, %select_n3A_159 : vector<16xf32>
      %select_n3A_168 = arith.select %gt3A_167, %get3A_163, %select_n3A_159 : vector<16xi1>, vector<16xf32>
      %select_n3A_169 = arith.select %gt3A_167, %get3A_166, %select_n3A_160 : vector<16xi1>, vector<16xi32>
      %get3A_170 = arith.constant 240 : index
      %get3A_171 = tpu.vector_load %arg7[%get3A_170] {strides = array<i32>} : memref<400xf32, #tpu.memory_space<vmem>>, vector<16xf32>,
      %get3A_172 = vector.shape_cast %get3A_171 : vector<16xf32> to vector<16xf32>
      %get3A_173 = arith.constant 240 : index
      %get3A_174 = tpu.vector_load %arg8[%get3A_173] {strides = array<i32>} : memref<400xi32, #tpu.memory_space<vmem>>, vector<16xi32>,
      %get3A_175 = vector.shape_cast %get3A_174 : vector<16xi32> to vector<16xi32>
      %gt3A_176 = arith.cmpf ogt, %get3A_172, %select_n3A_168 : vector<16xf32>
      %select_n3A_177 = arith.select %gt3A_176, %get3A_172, %select_n3A_168 : vector<16xi1>, vector<16xf32>
      %select_n3A_178 = arith.select %gt3A_176, %get3A_175, %select_n3A_169 : vector<16xi1>, vector<16xi32>
      %get3A_179 = arith.constant 256 : index
      %get3A_180 = tpu.vector_load %arg7[%get3A_179] {strides = array<i32>} : memref<400xf32, #tpu.memory_space<vmem>>, vector<16xf32>,
      %get3A_181 = vector.shape_cast %get3A_180 : vector<16xf32> to vector<16xf32>
      %get3A_182 = arith.constant 256 : index
      %get3A_183 = tpu.vector_load %arg8[%get3A_182] {strides = array<i32>} : memref<400xi32, #tpu.memory_space<vmem>>, vector<16xi32>,
      %get3A_184 = vector.shape_cast %get3A_183 : vector<16xi32> to vector<16xi32>
      %gt3A_185 = arith.cmpf ogt, %get3A_181, %select_n3A_177 : vector<16xf32>
      %select_n3A_186 = arith.select %gt3A_185, %get3A_181, %select_n3A_177 : vector<16xi1>, vector<16xf32>
      %select_n3A_187 = arith.select %gt3A_185, %get3A_184, %select_n3A_178 : vector<16xi1>, vector<16xi32>
      %get3A_188 = arith.constant 272 : index
      %get3A_189 = tpu.vector_load %arg7[%get3A_188] {strides = array<i32>} : memref<400xf32, #tpu.memory_space<vmem>>, vector<16xf32>,
      %get3A_190 = vector.shape_cast %get3A_189 : vector<16xf32> to vector<16xf32>
      %get3A_191 = arith.constant 272 : index
      %get3A_192 = tpu.vector_load %arg8[%get3A_191] {strides = array<i32>} : memref<400xi32, #tpu.memory_space<vmem>>, vector<16xi32>,
      %get3A_193 = vector.shape_cast %get3A_192 : vector<16xi32> to vector<16xi32>
      %gt3A_194 = arith.cmpf ogt, %get3A_190, %select_n3A_186 : vector<16xf32>
      %select_n3A_195 = arith.select %gt3A_194, %get3A_190, %select_n3A_186 : vector<16xi1>, vector<16xf32>
      %select_n3A_196 = arith.select %gt3A_194, %get3A_193, %select_n3A_187 : vector<16xi1>, vector<16xi32>
      %get3A_197 = arith.constant 288 : index
      %get3A_198 = tpu.vector_load %arg7[%get3A_197] {strides = array<i32>} : memref<400xf32, #tpu.memory_space<vmem>>, vector<16xf32>,
      %get3A_199 = vector.shape_cast %get3A_198 : vector<16xf32> to vector<16xf32>
      %get3A_200 = arith.constant 288 : index
      %get3A_201 = tpu.vector_load %arg8[%get3A_200] {strides = array<i32>} : memref<400xi32, #tpu.memory_space<vmem>>, vector<16xi32>,
      %get3A_202 = vector.shape_cast %get3A_201 : vector<16xi32> to vector<16xi32>
      %gt3A_203 = arith.cmpf ogt, %get3A_199, %select_n3A_195 : vector<16xf32>
      %select_n3A_204 = arith.select %gt3A_203, %get3A_199, %select_n3A_195 : vector<16xi1>, vector<16xf32>
      %select_n3A_205 = arith.select %gt3A_203, %get3A_202, %select_n3A_196 : vector<16xi1>, vector<16xi32>
      %get3A_206 = arith.constant 304 : index
      %get3A_207 = tpu.vector_load %arg7[%get3A_206] {strides = array<i32>} : memref<400xf32, #tpu.memory_space<vmem>>, vector<16xf32>,
      %get3A_208 = vector.shape_cast %get3A_207 : vector<16xf32> to vector<16xf32>
      %get3A_209 = arith.constant 304 : index
      %get3A_210 = tpu.vector_load %arg8[%get3A_209] {strides = array<i32>} : memref<400xi32, #tpu.memory_space<vmem>>, vector<16xi32>,
      %get3A_211 = vector.shape_cast %get3A_210 : vector<16xi32> to vector<16xi32>
      %gt3A_212 = arith.cmpf ogt, %get3A_208, %select_n3A_204 : vector<16xf32>
      %select_n3A_213 = arith.select %gt3A_212, %get3A_208, %select_n3A_204 : vector<16xi1>, vector<16xf32>
      %select_n3A_214 = arith.select %gt3A_212, %get3A_211, %select_n3A_205 : vector<16xi1>, vector<16xi32>
      %get3A_215 = arith.constant 320 : index
      %get3A_216 = tpu.vector_load %arg7[%get3A_215] {strides = array<i32>} : memref<400xf32, #tpu.memory_space<vmem>>, vector<16xf32>,
      %get3A_217 = vector.shape_cast %get3A_216 : vector<16xf32> to vector<16xf32>
      %get3A_218 = arith.constant 320 : index
      %get3A_219 = tpu.vector_load %arg8[%get3A_218] {strides = array<i32>} : memref<400xi32, #tpu.memory_space<vmem>>, vector<16xi32>,
      %get3A_220 = vector.shape_cast %get3A_219 : vector<16xi32> to vector<16xi32>
      %gt3A_221 = arith.cmpf ogt, %get3A_217, %select_n3A_213 : vector<16xf32>
      %select_n3A_222 = arith.select %gt3A_221, %get3A_217, %select_n3A_213 : vector<16xi1>, vector<16xf32>
      %select_n3A_223 = arith.select %gt3A_221, %get3A_220, %select_n3A_214 : vector<16xi1>, vector<16xi32>
      %get3A_224 = arith.constant 336 : index
      %get3A_225 = tpu.vector_load %arg7[%get3A_224] {strides = array<i32>} : memref<400xf32, #tpu.memory_space<vmem>>, vector<16xf32>,
      %get3A_226 = vector.shape_cast %get3A_225 : vector<16xf32> to vector<16xf32>
      %get3A_227 = arith.constant 336 : index
      %get3A_228 = tpu.vector_load %arg8[%get3A_227] {strides = array<i32>} : memref<400xi32, #tpu.memory_space<vmem>>, vector<16xi32>,
      %get3A_229 = vector.shape_cast %get3A_228 : vector<16xi32> to vector<16xi32>
      %gt3A_230 = arith.cmpf ogt, %get3A_226, %select_n3A_222 : vector<16xf32>
      %select_n3A_231 = arith.select %gt3A_230, %get3A_226, %select_n3A_222 : vector<16xi1>, vector<16xf32>
      %select_n3A_232 = arith.select %gt3A_230, %get3A_229, %select_n3A_223 : vector<16xi1>, vector<16xi32>
      %get3A_233 = arith.constant 352 : index
      %get3A_234 = tpu.vector_load %arg7[%get3A_233] {strides = array<i32>} : memref<400xf32, #tpu.memory_space<vmem>>, vector<16xf32>,
      %get3A_235 = vector.shape_cast %get3A_234 : vector<16xf32> to vector<16xf32>
      %get3A_236 = arith.constant 352 : index
      %get3A_237 = tpu.vector_load %arg8[%get3A_236] {strides = array<i32>} : memref<400xi32, #tpu.memory_space<vmem>>, vector<16xi32>,
      %get3A_238 = vector.shape_cast %get3A_237 : vector<16xi32> to vector<16xi32>
      %gt3A_239 = arith.cmpf ogt, %get3A_235, %select_n3A_231 : vector<16xf32>
      %select_n3A_240 = arith.select %gt3A_239, %get3A_235, %select_n3A_231 : vector<16xi1>, vector<16xf32>
      %select_n3A_241 = arith.select %gt3A_239, %get3A_238, %select_n3A_232 : vector<16xi1>, vector<16xi32>
      %get3A_242 = arith.constant 368 : index
      %get3A_243 = tpu.vector_load %arg7[%get3A_242] {strides = array<i32>} : memref<400xf32, #tpu.memory_space<vmem>>, vector<16xf32>,
      %get3A_244 = vector.shape_cast %get3A_243 : vector<16xf32> to vector<16xf32>
      %get3A_245 = arith.constant 368 : index
      %get3A_246 = tpu.vector_load %arg8[%get3A_245] {strides = array<i32>} : memref<400xi32, #tpu.memory_space<vmem>>, vector<16xi32>,
      %get3A_247 = vector.shape_cast %get3A_246 : vector<16xi32> to vector<16xi32>
      %gt3A_248 = arith.cmpf ogt, %get3A_244, %select_n3A_240 : vector<16xf32>
      %select_n3A_249 = arith.select %gt3A_248, %get3A_244, %select_n3A_240 : vector<16xi1>, vector<16xf32>
      %select_n3A_250 = arith.select %gt3A_248, %get3A_247, %select_n3A_241 : vector<16xi1>, vector<16xi32>
      %get3A_251 = arith.constant 384 : index
      %get3A_252 = tpu.vector_load %arg7[%get3A_251] {strides = array<i32>} : memref<400xf32, #tpu.memory_space<vmem>>, vector<16xf32>,
      %get3A_253 = vector.shape_cast %get3A_252 : vector<16xf32> to vector<16xf32>
      %get3A_254 = arith.constant 384 : index
      %get3A_255 = tpu.vector_load %arg8[%get3A_254] {strides = array<i32>} : memref<400xi32, #tpu.memory_space<vmem>>, vector<16xi32>,
      %get3A_256 = vector.shape_cast %get3A_255 : vector<16xi32> to vector<16xi32>
      %gt3A_257 = arith.cmpf ogt, %get3A_253, %select_n3A_249 : vector<16xf32>
      %select_n3A_258 = arith.select %gt3A_257, %get3A_253, %select_n3A_249 : vector<16xi1>, vector<16xf32>
      %select_n3A_259 = arith.select %gt3A_257, %get3A_256, %select_n3A_250 : vector<16xi1>, vector<16xi32>
      %xor3A = arith.constant 8 : i32
      %xor3A_260 = vector.broadcast %xor3A : i32 to vector<16xi32>
      %xor3A_261 = arith.xori %iota3A, %xor3A_260 : vector<16xi32>
      %broadcast_in_dim3A_262 = vector.shape_cast %xor3A_261 : vector<16xi32> to vector<16x1xi32>
      %gather3A = vector.shape_cast %broadcast_in_dim3A_262 : vector<16x1xi32> to vector<16xi32>
      %gather3A_263 = tpu.dynamic_gather %select_n3A_258[%gather3A] in [0] : vector<16xf32>, vector<16xi32> -> vector<16xf32>
      %broadcast_in_dim3A_264 = vector.shape_cast %xor3A_261 : vector<16xi32> to vector<16x1xi32>
      %gather3A_265 = vector.shape_cast %broadcast_in_dim3A_264 : vector<16x1xi32> to vector<16xi32>
      %gather3A_266 = tpu.dynamic_gather %select_n3A_259[%gather3A_265] in [0] : vector<16xi32>, vector<16xi32> -> vector<16xi32>
      %gt3A_267 = arith.cmpf ogt, %gather3A_263, %select_n3A_258 : vector<16xf32>
      %eq3A_268 = arith.cmpf oeq, %gather3A_263, %select_n3A_258 : vector<16xf32>
      %lt3A = arith.cmpi slt, %gather3A_266, %select_n3A_259 : vector<16xi32>
      %and3A = arith.andi %eq3A_268, %lt3A : vector<16xi1>
      %or3A = arith.ori %gt3A_267, %and3A : vector<16xi1>
      %select_n3A_269 = arith.select %or3A, %gather3A_263, %select_n3A_258 : vector<16xi1>, vector<16xf32>
      %select_n3A_270 = arith.select %or3A, %gather3A_266, %select_n3A_259 : vector<16xi1>, vector<16xi32>
      %xor3A_271 = arith.constant 4 : i32
      %xor3A_272 = vector.broadcast %xor3A_271 : i32 to vector<16xi32>
      %xor3A_273 = arith.xori %iota3A, %xor3A_272 : vector<16xi32>
      %broadcast_in_dim3A_274 = vector.shape_cast %xor3A_273 : vector<16xi32> to vector<16x1xi32>
      %gather3A_275 = vector.shape_cast %broadcast_in_dim3A_274 : vector<16x1xi32> to vector<16xi32>
      %gather3A_276 = tpu.dynamic_gather %select_n3A_269[%gather3A_275] in [0] : vector<16xf32>, vector<16xi32> -> vector<16xf32>
      %broadcast_in_dim3A_277 = vector.shape_cast %xor3A_273 : vector<16xi32> to vector<16x1xi32>
      %gather3A_278 = vector.shape_cast %broadcast_in_dim3A_277 : vector<16x1xi32> to vector<16xi32>
      %gather3A_279 = tpu.dynamic_gather %select_n3A_270[%gather3A_278] in [0] : vector<16xi32>, vector<16xi32> -> vector<16xi32>
      %gt3A_280 = arith.cmpf ogt, %gather3A_276, %select_n3A_269 : vector<16xf32>
      %eq3A_281 = arith.cmpf oeq, %gather3A_276, %select_n3A_269 : vector<16xf32>
      %lt3A_282 = arith.cmpi slt, %gather3A_279, %select_n3A_270 : vector<16xi32>
      %and3A_283 = arith.andi %eq3A_281, %lt3A_282 : vector<16xi1>
      %or3A_284 = arith.ori %gt3A_280, %and3A_283 : vector<16xi1>
      %select_n3A_285 = arith.select %or3A_284, %gather3A_276, %select_n3A_269 : vector<16xi1>, vector<16xf32>
      %select_n3A_286 = arith.select %or3A_284, %gather3A_279, %select_n3A_270 : vector<16xi1>, vector<16xi32>
      %xor3A_287 = arith.constant 2 : i32
      %xor3A_288 = vector.broadcast %xor3A_287 : i32 to vector<16xi32>
      %xor3A_289 = arith.xori %iota3A, %xor3A_288 : vector<16xi32>
      %broadcast_in_dim3A_290 = vector.shape_cast %xor3A_289 : vector<16xi32> to vector<16x1xi32>
      %gather3A_291 = vector.shape_cast %broadcast_in_dim3A_290 : vector<16x1xi32> to vector<16xi32>
      %gather3A_292 = tpu.dynamic_gather %select_n3A_285[%gather3A_291] in [0] : vector<16xf32>, vector<16xi32> -> vector<16xf32>
      %broadcast_in_dim3A_293 = vector.shape_cast %xor3A_289 : vector<16xi32> to vector<16x1xi32>
      %gather3A_294 = vector.shape_cast %broadcast_in_dim3A_293 : vector<16x1xi32> to vector<16xi32>
      %gather3A_295 = tpu.dynamic_gather %select_n3A_286[%gather3A_294] in [0] : vector<16xi32>, vector<16xi32> -> vector<16xi32>
      %gt3A_296 = arith.cmpf ogt, %gather3A_292, %select_n3A_285 : vector<16xf32>
      %eq3A_297 = arith.cmpf oeq, %gather3A_292, %select_n3A_285 : vector<16xf32>
      %lt3A_298 = arith.cmpi slt, %gather3A_295, %select_n3A_286 : vector<16xi32>
      %and3A_299 = arith.andi %eq3A_297, %lt3A_298 : vector<16xi1>
      %or3A_300 = arith.ori %gt3A_296, %and3A_299 : vector<16xi1>
      %select_n3A_301 = arith.select %or3A_300, %gather3A_292, %select_n3A_285 : vector<16xi1>, vector<16xf32>
      %select_n3A_302 = arith.select %or3A_300, %gather3A_295, %select_n3A_286 : vector<16xi1>, vector<16xi32>
      %xor3A_303 = arith.constant 1 : i32
      %xor3A_304 = vector.broadcast %xor3A_303 : i32 to vector<16xi32>
      %xor3A_305 = arith.xori %iota3A, %xor3A_304 : vector<16xi32>
      %broadcast_in_dim3A_306 = vector.shape_cast %xor3A_305 : vector<16xi32> to vector<16x1xi32>
      %gather3A_307 = vector.shape_cast %broadcast_in_dim3A_306 : vector<16x1xi32> to vector<16xi32>
      %gather3A_308 = tpu.dynamic_gather %select_n3A_301[%gather3A_307] in [0] : vector<16xf32>, vector<16xi32> -> vector<16xf32>
      %broadcast_in_dim3A_309 = vector.shape_cast %xor3A_305 : vector<16xi32> to vector<16x1xi32>
      %gather3A_310 = vector.shape_cast %broadcast_in_dim3A_309 : vector<16x1xi32> to vector<16xi32>
      %gather3A_311 = tpu.dynamic_gather %select_n3A_302[%gather3A_310] in [0] : vector<16xi32>, vector<16xi32> -> vector<16xi32>
      %gt3A_312 = arith.cmpf ogt, %gather3A_308, %select_n3A_301 : vector<16xf32>
      %eq3A_313 = arith.cmpf oeq, %gather3A_308, %select_n3A_301 : vector<16xf32>
      %lt3A_314 = arith.cmpi slt, %gather3A_311, %select_n3A_302 : vector<16xi32>
      %and3A_315 = arith.andi %eq3A_313, %lt3A_314 : vector<16xi1>
      %or3A_316 = arith.ori %gt3A_312, %and3A_315 : vector<16xi1>
      %select_n3A_317 = arith.select %or3A_316, %gather3A_308, %select_n3A_301 : vector<16xi1>, vector<16xf32>
      %select_n3A_318 = arith.select %or3A_316, %gather3A_311, %select_n3A_302 : vector<16xi1>, vector<16xi32>
      %slice3A = vector.extract_strided_slice %select_n3A_317 {offsets = [0], sizes = [1], strides = [1]} : vector<16xf32> to vector<1xf32>
      %squeeze3A = vector.extract %slice3A[0] : f32 from vector<1xf32>
      %slice3A_319 = vector.extract_strided_slice %select_n3A_318 {offsets = [0], sizes = [1], strides = [1]} : vector<16xi32> to vector<1xi32>
      %squeeze3A_320 = vector.extract %slice3A_319[0] : i32 from vector<1xi32>
      %broadcast_in_dim3A_321 = vector.broadcast %squeeze3A : f32 to vector<16xf32>
      %mul3A_322 = arith.constant 256 : i32
      %mul3A_323 = arith.muli %squeeze3A_320, %mul3A_322 : i32
      %get3A_324 = arith.index_cast %mul3A_323 : i32 to index
      %get3A_325 = tpu.vector_load %arg5[%get3A_324] {strides = array<i32>} : memref<102400xf32, #tpu.memory_space<vmem>>, vector<16xf32>,
      %get3A_326 = vector.shape_cast %get3A_325 : vector<16xf32> to vector<16xf32>
      %add3A_327 = vector.broadcast %mul3A_323 : i32 to vector<16xi32>
      %add3A_328 = arith.addi %add3A_327, %iota3A : vector<16xi32>
      %add3A_329 = arith.constant 16 : i32
      %add3A_330 = arith.addi %mul3A_323, %add3A_329 : i32
      %get3A_331 = arith.index_cast %add3A_330 : i32 to index
      %get3A_332 = tpu.vector_load %arg5[%get3A_331] {strides = array<i32>} : memref<102400xf32, #tpu.memory_space<vmem>>, vector<16xf32>,
      %get3A_333 = vector.shape_cast %get3A_332 : vector<16xf32> to vector<16xf32>
      %add3A_334 = arith.constant 16 : i32
      %add3A_335 = arith.addi %mul3A_323, %add3A_334 : i32
      %add3A_336 = vector.broadcast %add3A_335 : i32 to vector<16xi32>
      %add3A_337 = arith.addi %add3A_336, %iota3A : vector<16xi32>
      %gt3A_338 = arith.cmpf ogt, %get3A_333, %get3A_326 : vector<16xf32>
      %select_n3A_339 = arith.select %gt3A_338, %get3A_333, %get3A_326 : vector<16xi1>, vector<16xf32>
      %select_n3A_340 = arith.select %gt3A_338, %add3A_337, %add3A_328 : vector<16xi1>, vector<16xi32>
      %add3A_341 = arith.constant 32 : i32
      %add3A_342 = arith.addi %mul3A_323, %add3A_341 : i32
      %get3A_343 = arith.index_cast %add3A_342 : i32 to index
      %get3A_344 = tpu.vector_load %arg5[%get3A_343] {strides = array<i32>} : memref<102400xf32, #tpu.memory_space<vmem>>, vector<16xf32>,
      %get3A_345 = vector.shape_cast %get3A_344 : vector<16xf32> to vector<16xf32>
      %add3A_346 = arith.constant 32 : i32
      %add3A_347 = arith.addi %mul3A_323, %add3A_346 : i32
      %add3A_348 = vector.broadcast %add3A_347 : i32 to vector<16xi32>
      %add3A_349 = arith.addi %add3A_348, %iota3A : vector<16xi32>
      %gt3A_350 = arith.cmpf ogt, %get3A_345, %select_n3A_339 : vector<16xf32>
      %select_n3A_351 = arith.select %gt3A_350, %get3A_345, %select_n3A_339 : vector<16xi1>, vector<16xf32>
      %select_n3A_352 = arith.select %gt3A_350, %add3A_349, %select_n3A_340 : vector<16xi1>, vector<16xi32>
      %add3A_353 = arith.constant 48 : i32
      %add3A_354 = arith.addi %mul3A_323, %add3A_353 : i32
      %get3A_355 = arith.index_cast %add3A_354 : i32 to index
      %get3A_356 = tpu.vector_load %arg5[%get3A_355] {strides = array<i32>} : memref<102400xf32, #tpu.memory_space<vmem>>, vector<16xf32>,
      %get3A_357 = vector.shape_cast %get3A_356 : vector<16xf32> to vector<16xf32>
      %add3A_358 = arith.constant 48 : i32
      %add3A_359 = arith.addi %mul3A_323, %add3A_358 : i32
      %add3A_360 = vector.broadcast %add3A_359 : i32 to vector<16xi32>
      %add3A_361 = arith.addi %add3A_360, %iota3A : vector<16xi32>
      %gt3A_362 = arith.cmpf ogt, %get3A_357, %select_n3A_351 : vector<16xf32>
      %select_n3A_363 = arith.select %gt3A_362, %get3A_357, %select_n3A_351 : vector<16xi1>, vector<16xf32>
      %select_n3A_364 = arith.select %gt3A_362, %add3A_361, %select_n3A_352 : vector<16xi1>, vector<16xi32>
      %add3A_365 = arith.constant 64 : i32
      %add3A_366 = arith.addi %mul3A_323, %add3A_365 : i32
      %get3A_367 = arith.index_cast %add3A_366 : i32 to index
      %get3A_368 = tpu.vector_load %arg5[%get3A_367] {strides = array<i32>} : memref<102400xf32, #tpu.memory_space<vmem>>, vector<16xf32>,
      %get3A_369 = vector.shape_cast %get3A_368 : vector<16xf32> to vector<16xf32>
      %add3A_370 = arith.constant 64 : i32
      %add3A_371 = arith.addi %mul3A_323, %add3A_370 : i32
      %add3A_372 = vector.broadcast %add3A_371 : i32 to vector<16xi32>
      %add3A_373 = arith.addi %add3A_372, %iota3A : vector<16xi32>
      %gt3A_374 = arith.cmpf ogt, %get3A_369, %select_n3A_363 : vector<16xf32>
      %select_n3A_375 = arith.select %gt3A_374, %get3A_369, %select_n3A_363 : vector<16xi1>, vector<16xf32>
      %select_n3A_376 = arith.select %gt3A_374, %add3A_373, %select_n3A_364 : vector<16xi1>, vector<16xi32>
      %add3A_377 = arith.constant 80 : i32
      %add3A_378 = arith.addi %mul3A_323, %add3A_377 : i32
      %get3A_379 = arith.index_cast %add3A_378 : i32 to index
      %get3A_380 = tpu.vector_load %arg5[%get3A_379] {strides = array<i32>} : memref<102400xf32, #tpu.memory_space<vmem>>, vector<16xf32>,
      %get3A_381 = vector.shape_cast %get3A_380 : vector<16xf32> to vector<16xf32>
      %add3A_382 = arith.constant 80 : i32
      %add3A_383 = arith.addi %mul3A_323, %add3A_382 : i32
      %add3A_384 = vector.broadcast %add3A_383 : i32 to vector<16xi32>
      %add3A_385 = arith.addi %add3A_384, %iota3A : vector<16xi32>
      %gt3A_386 = arith.cmpf ogt, %get3A_381, %select_n3A_375 : vector<16xf32>
      %select_n3A_387 = arith.select %gt3A_386, %get3A_381, %select_n3A_375 : vector<16xi1>, vector<16xf32>
      %select_n3A_388 = arith.select %gt3A_386, %add3A_385, %select_n3A_376 : vector<16xi1>, vector<16xi32>
      %add3A_389 = arith.constant 96 : i32
      %add3A_390 = arith.addi %mul3A_323, %add3A_389 : i32
      %get3A_391 = arith.index_cast %add3A_390 : i32 to index
      %get3A_392 = tpu.vector_load %arg5[%get3A_391] {strides = array<i32>} : memref<102400xf32, #tpu.memory_space<vmem>>, vector<16xf32>,
      %get3A_393 = vector.shape_cast %get3A_392 : vector<16xf32> to vector<16xf32>
      %add3A_394 = arith.constant 96 : i32
      %add3A_395 = arith.addi %mul3A_323, %add3A_394 : i32
      %add3A_396 = vector.broadcast %add3A_395 : i32 to vector<16xi32>
      %add3A_397 = arith.addi %add3A_396, %iota3A : vector<16xi32>
      %gt3A_398 = arith.cmpf ogt, %get3A_393, %select_n3A_387 : vector<16xf32>
      %select_n3A_399 = arith.select %gt3A_398, %get3A_393, %select_n3A_387 : vector<16xi1>, vector<16xf32>
      %select_n3A_400 = arith.select %gt3A_398, %add3A_397, %select_n3A_388 : vector<16xi1>, vector<16xi32>
      %add3A_401 = arith.constant 112 : i32
      %add3A_402 = arith.addi %mul3A_323, %add3A_401 : i32
      %get3A_403 = arith.index_cast %add3A_402 : i32 to index
      %get3A_404 = tpu.vector_load %arg5[%get3A_403] {strides = array<i32>} : memref<102400xf32, #tpu.memory_space<vmem>>, vector<16xf32>,
      %get3A_405 = vector.shape_cast %get3A_404 : vector<16xf32> to vector<16xf32>
      %add3A_406 = arith.constant 112 : i32
      %add3A_407 = arith.addi %mul3A_323, %add3A_406 : i32
      %add3A_408 = vector.broadcast %add3A_407 : i32 to vector<16xi32>
      %add3A_409 = arith.addi %add3A_408, %iota3A : vector<16xi32>
      %gt3A_410 = arith.cmpf ogt, %get3A_405, %select_n3A_399 : vector<16xf32>
      %select_n3A_411 = arith.select %gt3A_410, %get3A_405, %select_n3A_399 : vector<16xi1>, vector<16xf32>
      %select_n3A_412 = arith.select %gt3A_410, %add3A_409, %select_n3A_400 : vector<16xi1>, vector<16xi32>
      %add3A_413 = arith.constant 128 : i32
      %add3A_414 = arith.addi %mul3A_323, %add3A_413 : i32
      %get3A_415 = arith.index_cast %add3A_414 : i32 to index
      %get3A_416 = tpu.vector_load %arg5[%get3A_415] {strides = array<i32>} : memref<102400xf32, #tpu.memory_space<vmem>>, vector<16xf32>,
      %get3A_417 = vector.shape_cast %get3A_416 : vector<16xf32> to vector<16xf32>
      %add3A_418 = arith.constant 128 : i32
      %add3A_419 = arith.addi %mul3A_323, %add3A_418 : i32
      %add3A_420 = vector.broadcast %add3A_419 : i32 to vector<16xi32>
      %add3A_421 = arith.addi %add3A_420, %iota3A : vector<16xi32>
      %gt3A_422 = arith.cmpf ogt, %get3A_417, %select_n3A_411 : vector<16xf32>
      %select_n3A_423 = arith.select %gt3A_422, %get3A_417, %select_n3A_411 : vector<16xi1>, vector<16xf32>
      %select_n3A_424 = arith.select %gt3A_422, %add3A_421, %select_n3A_412 : vector<16xi1>, vector<16xi32>
      %add3A_425 = arith.constant 144 : i32
      %add3A_426 = arith.addi %mul3A_323, %add3A_425 : i32
      %get3A_427 = arith.index_cast %add3A_426 : i32 to index
      %get3A_428 = tpu.vector_load %arg5[%get3A_427] {strides = array<i32>} : memref<102400xf32, #tpu.memory_space<vmem>>, vector<16xf32>,
      %get3A_429 = vector.shape_cast %get3A_428 : vector<16xf32> to vector<16xf32>
      %add3A_430 = arith.constant 144 : i32
      %add3A_431 = arith.addi %mul3A_323, %add3A_430 : i32
      %add3A_432 = vector.broadcast %add3A_431 : i32 to vector<16xi32>
      %add3A_433 = arith.addi %add3A_432, %iota3A : vector<16xi32>
      %gt3A_434 = arith.cmpf ogt, %get3A_429, %select_n3A_423 : vector<16xf32>
      %select_n3A_435 = arith.select %gt3A_434, %get3A_429, %select_n3A_423 : vector<16xi1>, vector<16xf32>
      %select_n3A_436 = arith.select %gt3A_434, %add3A_433, %select_n3A_424 : vector<16xi1>, vector<16xi32>
      %add3A_437 = arith.constant 160 : i32
      %add3A_438 = arith.addi %mul3A_323, %add3A_437 : i32
      %get3A_439 = arith.index_cast %add3A_438 : i32 to index
      %get3A_440 = tpu.vector_load %arg5[%get3A_439] {strides = array<i32>} : memref<102400xf32, #tpu.memory_space<vmem>>, vector<16xf32>,
      %get3A_441 = vector.shape_cast %get3A_440 : vector<16xf32> to vector<16xf32>
      %add3A_442 = arith.constant 160 : i32
      %add3A_443 = arith.addi %mul3A_323, %add3A_442 : i32
      %add3A_444 = vector.broadcast %add3A_443 : i32 to vector<16xi32>
      %add3A_445 = arith.addi %add3A_444, %iota3A : vector<16xi32>
      %gt3A_446 = arith.cmpf ogt, %get3A_441, %select_n3A_435 : vector<16xf32>
      %select_n3A_447 = arith.select %gt3A_446, %get3A_441, %select_n3A_435 : vector<16xi1>, vector<16xf32>
      %select_n3A_448 = arith.select %gt3A_446, %add3A_445, %select_n3A_436 : vector<16xi1>, vector<16xi32>
      %add3A_449 = arith.constant 176 : i32
      %add3A_450 = arith.addi %mul3A_323, %add3A_449 : i32
      %get3A_451 = arith.index_cast %add3A_450 : i32 to index
      %get3A_452 = tpu.vector_load %arg5[%get3A_451] {strides = array<i32>} : memref<102400xf32, #tpu.memory_space<vmem>>, vector<16xf32>,
      %get3A_453 = vector.shape_cast %get3A_452 : vector<16xf32> to vector<16xf32>
      %add3A_454 = arith.constant 176 : i32
      %add3A_455 = arith.addi %mul3A_323, %add3A_454 : i32
      %add3A_456 = vector.broadcast %add3A_455 : i32 to vector<16xi32>
      %add3A_457 = arith.addi %add3A_456, %iota3A : vector<16xi32>
      %gt3A_458 = arith.cmpf ogt, %get3A_453, %select_n3A_447 : vector<16xf32>
      %select_n3A_459 = arith.select %gt3A_458, %get3A_453, %select_n3A_447 : vector<16xi1>, vector<16xf32>
      %select_n3A_460 = arith.select %gt3A_458, %add3A_457, %select_n3A_448 : vector<16xi1>, vector<16xi32>
      %add3A_461 = arith.constant 192 : i32
      %add3A_462 = arith.addi %mul3A_323, %add3A_461 : i32
      %get3A_463 = arith.index_cast %add3A_462 : i32 to index
      %get3A_464 = tpu.vector_load %arg5[%get3A_463] {strides = array<i32>} : memref<102400xf32, #tpu.memory_space<vmem>>, vector<16xf32>,
      %get3A_465 = vector.shape_cast %get3A_464 : vector<16xf32> to vector<16xf32>
      %add3A_466 = arith.constant 192 : i32
      %add3A_467 = arith.addi %mul3A_323, %add3A_466 : i32
      %add3A_468 = vector.broadcast %add3A_467 : i32 to vector<16xi32>
      %add3A_469 = arith.addi %add3A_468, %iota3A : vector<16xi32>
      %gt3A_470 = arith.cmpf ogt, %get3A_465, %select_n3A_459 : vector<16xf32>
      %select_n3A_471 = arith.select %gt3A_470, %get3A_465, %select_n3A_459 : vector<16xi1>, vector<16xf32>
      %select_n3A_472 = arith.select %gt3A_470, %add3A_469, %select_n3A_460 : vector<16xi1>, vector<16xi32>
      %add3A_473 = arith.constant 208 : i32
      %add3A_474 = arith.addi %mul3A_323, %add3A_473 : i32
      %get3A_475 = arith.index_cast %add3A_474 : i32 to index
      %get3A_476 = tpu.vector_load %arg5[%get3A_475] {strides = array<i32>} : memref<102400xf32, #tpu.memory_space<vmem>>, vector<16xf32>,
      %get3A_477 = vector.shape_cast %get3A_476 : vector<16xf32> to vector<16xf32>
      %add3A_478 = arith.constant 208 : i32
      %add3A_479 = arith.addi %mul3A_323, %add3A_478 : i32
      %add3A_480 = vector.broadcast %add3A_479 : i32 to vector<16xi32>
      %add3A_481 = arith.addi %add3A_480, %iota3A : vector<16xi32>
      %gt3A_482 = arith.cmpf ogt, %get3A_477, %select_n3A_471 : vector<16xf32>
      %select_n3A_483 = arith.select %gt3A_482, %get3A_477, %select_n3A_471 : vector<16xi1>, vector<16xf32>
      %select_n3A_484 = arith.select %gt3A_482, %add3A_481, %select_n3A_472 : vector<16xi1>, vector<16xi32>
      %add3A_485 = arith.constant 224 : i32
      %add3A_486 = arith.addi %mul3A_323, %add3A_485 : i32
      %get3A_487 = arith.index_cast %add3A_486 : i32 to index
      %get3A_488 = tpu.vector_load %arg5[%get3A_487] {strides = array<i32>} : memref<102400xf32, #tpu.memory_space<vmem>>, vector<16xf32>,
      %get3A_489 = vector.shape_cast %get3A_488 : vector<16xf32> to vector<16xf32>
      %add3A_490 = arith.constant 224 : i32
      %add3A_491 = arith.addi %mul3A_323, %add3A_490 : i32
      %add3A_492 = vector.broadcast %add3A_491 : i32 to vector<16xi32>
      %add3A_493 = arith.addi %add3A_492, %iota3A : vector<16xi32>
      %gt3A_494 = arith.cmpf ogt, %get3A_489, %select_n3A_483 : vector<16xf32>
      %select_n3A_495 = arith.select %gt3A_494, %get3A_489, %select_n3A_483 : vector<16xi1>, vector<16xf32>
      %select_n3A_496 = arith.select %gt3A_494, %add3A_493, %select_n3A_484 : vector<16xi1>, vector<16xi32>
      %add3A_497 = arith.constant 240 : i32
      %add3A_498 = arith.addi %mul3A_323, %add3A_497 : i32
      %get3A_499 = arith.index_cast %add3A_498 : i32 to index
      %get3A_500 = tpu.vector_load %arg5[%get3A_499] {strides = array<i32>} : memref<102400xf32, #tpu.memory_space<vmem>>, vector<16xf32>,
      %get3A_501 = vector.shape_cast %get3A_500 : vector<16xf32> to vector<16xf32>
      %add3A_502 = arith.constant 240 : i32
      %add3A_503 = arith.addi %mul3A_323, %add3A_502 : i32
      %add3A_504 = vector.broadcast %add3A_503 : i32 to vector<16xi32>
      %add3A_505 = arith.addi %add3A_504, %iota3A : vector<16xi32>
      %gt3A_506 = arith.cmpf ogt, %get3A_501, %select_n3A_495 : vector<16xf32>
      %select_n3A_507 = arith.select %gt3A_506, %get3A_501, %select_n3A_495 : vector<16xi1>, vector<16xf32>
      %select_n3A_508 = arith.select %gt3A_506, %add3A_505, %select_n3A_496 : vector<16xi1>, vector<16xi32>
      %xor3A_509 = arith.constant 8 : i32
      %xor3A_510 = vector.broadcast %xor3A_509 : i32 to vector<16xi32>
      %xor3A_511 = arith.xori %iota3A, %xor3A_510 : vector<16xi32>
      %broadcast_in_dim3A_512 = vector.shape_cast %xor3A_511 : vector<16xi32> to vector<16x1xi32>
      %gather3A_513 = vector.shape_cast %broadcast_in_dim3A_512 : vector<16x1xi32> to vector<16xi32>
      %gather3A_514 = tpu.dynamic_gather %select_n3A_507[%gather3A_513] in [0] : vector<16xf32>, vector<16xi32> -> vector<16xf32>
      %broadcast_in_dim3A_515 = vector.shape_cast %xor3A_511 : vector<16xi32> to vector<16x1xi32>
      %gather3A_516 = vector.shape_cast %broadcast_in_dim3A_515 : vector<16x1xi32> to vector<16xi32>
      %gather3A_517 = tpu.dynamic_gather %select_n3A_508[%gather3A_516] in [0] : vector<16xi32>, vector<16xi32> -> vector<16xi32>
      %gt3A_518 = arith.cmpf ogt, %gather3A_514, %select_n3A_507 : vector<16xf32>
      %eq3A_519 = arith.cmpf oeq, %gather3A_514, %select_n3A_507 : vector<16xf32>
      %lt3A_520 = arith.cmpi slt, %gather3A_517, %select_n3A_508 : vector<16xi32>
      %and3A_521 = arith.andi %eq3A_519, %lt3A_520 : vector<16xi1>
      %or3A_522 = arith.ori %gt3A_518, %and3A_521 : vector<16xi1>
      %select_n3A_523 = arith.select %or3A_522, %gather3A_514, %select_n3A_507 : vector<16xi1>, vector<16xf32>
      %select_n3A_524 = arith.select %or3A_522, %gather3A_517, %select_n3A_508 : vector<16xi1>, vector<16xi32>
      %xor3A_525 = arith.constant 4 : i32
      %xor3A_526 = vector.broadcast %xor3A_525 : i32 to vector<16xi32>
      %xor3A_527 = arith.xori %iota3A, %xor3A_526 : vector<16xi32>
      %broadcast_in_dim3A_528 = vector.shape_cast %xor3A_527 : vector<16xi32> to vector<16x1xi32>
      %gather3A_529 = vector.shape_cast %broadcast_in_dim3A_528 : vector<16x1xi32> to vector<16xi32>
      %gather3A_530 = tpu.dynamic_gather %select_n3A_523[%gather3A_529] in [0] : vector<16xf32>, vector<16xi32> -> vector<16xf32>
      %broadcast_in_dim3A_531 = vector.shape_cast %xor3A_527 : vector<16xi32> to vector<16x1xi32>
      %gather3A_532 = vector.shape_cast %broadcast_in_dim3A_531 : vector<16x1xi32> to vector<16xi32>
      %gather3A_533 = tpu.dynamic_gather %select_n3A_524[%gather3A_532] in [0] : vector<16xi32>, vector<16xi32> -> vector<16xi32>
      %gt3A_534 = arith.cmpf ogt, %gather3A_530, %select_n3A_523 : vector<16xf32>
      %eq3A_535 = arith.cmpf oeq, %gather3A_530, %select_n3A_523 : vector<16xf32>
      %lt3A_536 = arith.cmpi slt, %gather3A_533, %select_n3A_524 : vector<16xi32>
      %and3A_537 = arith.andi %eq3A_535, %lt3A_536 : vector<16xi1>
      %or3A_538 = arith.ori %gt3A_534, %and3A_537 : vector<16xi1>
      %select_n3A_539 = arith.select %or3A_538, %gather3A_530, %select_n3A_523 : vector<16xi1>, vector<16xf32>
      %select_n3A_540 = arith.select %or3A_538, %gather3A_533, %select_n3A_524 : vector<16xi1>, vector<16xi32>
      %xor3A_541 = arith.constant 2 : i32
      %xor3A_542 = vector.broadcast %xor3A_541 : i32 to vector<16xi32>
      %xor3A_543 = arith.xori %iota3A, %xor3A_542 : vector<16xi32>
      %broadcast_in_dim3A_544 = vector.shape_cast %xor3A_543 : vector<16xi32> to vector<16x1xi32>
      %gather3A_545 = vector.shape_cast %broadcast_in_dim3A_544 : vector<16x1xi32> to vector<16xi32>
      %gather3A_546 = tpu.dynamic_gather %select_n3A_539[%gather3A_545] in [0] : vector<16xf32>, vector<16xi32> -> vector<16xf32>
      %broadcast_in_dim3A_547 = vector.shape_cast %xor3A_543 : vector<16xi32> to vector<16x1xi32>
      %gather3A_548 = vector.shape_cast %broadcast_in_dim3A_547 : vector<16x1xi32> to vector<16xi32>
      %gather3A_549 = tpu.dynamic_gather %select_n3A_540[%gather3A_548] in [0] : vector<16xi32>, vector<16xi32> -> vector<16xi32>
      %gt3A_550 = arith.cmpf ogt, %gather3A_546, %select_n3A_539 : vector<16xf32>
      %eq3A_551 = arith.cmpf oeq, %gather3A_546, %select_n3A_539 : vector<16xf32>
      %lt3A_552 = arith.cmpi slt, %gather3A_549, %select_n3A_540 : vector<16xi32>
      %and3A_553 = arith.andi %eq3A_551, %lt3A_552 : vector<16xi1>
      %or3A_554 = arith.ori %gt3A_550, %and3A_553 : vector<16xi1>
      %select_n3A_555 = arith.select %or3A_554, %gather3A_546, %select_n3A_539 : vector<16xi1>, vector<16xf32>
      %select_n3A_556 = arith.select %or3A_554, %gather3A_549, %select_n3A_540 : vector<16xi1>, vector<16xi32>
      %xor3A_557 = arith.constant 1 : i32
      %xor3A_558 = vector.broadcast %xor3A_557 : i32 to vector<16xi32>
      %xor3A_559 = arith.xori %iota3A, %xor3A_558 : vector<16xi32>
      %broadcast_in_dim3A_560 = vector.shape_cast %xor3A_559 : vector<16xi32> to vector<16x1xi32>
      %gather3A_561 = vector.shape_cast %broadcast_in_dim3A_560 : vector<16x1xi32> to vector<16xi32>
      %gather3A_562 = tpu.dynamic_gather %select_n3A_555[%gather3A_561] in [0] : vector<16xf32>, vector<16xi32> -> vector<16xf32>
      %broadcast_in_dim3A_563 = vector.shape_cast %xor3A_559 : vector<16xi32> to vector<16x1xi32>
      %gather3A_564 = vector.shape_cast %broadcast_in_dim3A_563 : vector<16x1xi32> to vector<16xi32>
      %gather3A_565 = tpu.dynamic_gather %select_n3A_556[%gather3A_564] in [0] : vector<16xi32>, vector<16xi32> -> vector<16xi32>
      %gt3A_566 = arith.cmpf ogt, %gather3A_562, %select_n3A_555 : vector<16xf32>
      %eq3A_567 = arith.cmpf oeq, %gather3A_562, %select_n3A_555 : vector<16xf32>
      %lt3A_568 = arith.cmpi slt, %gather3A_565, %select_n3A_556 : vector<16xi32>
      %and3A_569 = arith.andi %eq3A_567, %lt3A_568 : vector<16xi1>
      %or3A_570 = arith.ori %gt3A_566, %and3A_569 : vector<16xi1>
      %select_n3A_571 = arith.select %or3A_570, %gather3A_562, %select_n3A_555 : vector<16xi1>, vector<16xf32>
      %select_n3A_572 = arith.select %or3A_570, %gather3A_565, %select_n3A_556 : vector<16xi1>, vector<16xi32>
      %slice3A_573 = vector.extract_strided_slice %select_n3A_571 {offsets = [0], sizes = [1], strides = [1]} : vector<16xf32> to vector<1xf32>
      %squeeze3A_574 = vector.extract %slice3A_573[0] : f32 from vector<1xf32>
      %slice3A_575 = vector.extract_strided_slice %select_n3A_572 {offsets = [0], sizes = [1], strides = [1]} : vector<16xi32> to vector<1xi32>
      %squeeze3A_576 = vector.extract %slice3A_575[0] : i32 from vector<1xi32>
      %shift_right_arithmetic3A = arith.constant 4 : i32
      %shift_right_arithmetic3A_577 = arith.shrsi %scan3A_40, %shift_right_arithmetic3A : i32
      %shift_left3A = arith.constant 4 : i32
      %shift_left3A_578 = arith.shli %shift_right_arithmetic3A_577, %shift_left3A : i32
      %get3A_579 = arith.index_cast %shift_left3A_578 : i32 to index
      %get3A_580 = tpu.vector_load %arg9[%get3A_579] {strides = array<i32>} : memref<64xi32, #tpu.memory_space<vmem>>, vector<16xi32>,
      %get3A_581 = vector.shape_cast %get3A_580 : vector<16xi32> to vector<16xi32>
      %and3A_582 = arith.constant 15 : i32
      %and3A_583 = arith.andi %scan3A_40, %and3A_582 : i32
      %eq3A_584 = vector.broadcast %and3A_583 : i32 to vector<16xi32>
      %eq3A_585 = arith.cmpi eq, %iota3A, %eq3A_584 : vector<16xi32>
      %broadcast_in_dim3A_586 = vector.broadcast %squeeze3A_576 : i32 to vector<16xi32>
      %select_n3A_587 = arith.select %eq3A_585, %broadcast_in_dim3A_586, %get3A_581 : vector<16xi1>, vector<16xi32>
      %swap3A = arith.index_cast %shift_left3A_578 : i32 to index
      %swap3A_588 = tpu.vector_load %arg9[%swap3A] {strides = array<i32>} : memref<64xi32, #tpu.memory_space<vmem>>, vector<16xi32>,
      %swap3A_589 = vector.shape_cast %swap3A_588 : vector<16xi32> to vector<16xi32>
      %swap3A_590 = vector.shape_cast %select_n3A_587 : vector<16xi32> to vector<16xi32>
      tpu.vector_store %arg9[%swap3A], %swap3A_590 {strides = array<i32>} : memref<64xi32, #tpu.memory_space<vmem>>, vector<16xi32>,
      %shift_right_arithmetic3A_591 = arith.constant 4 : i32
      %shift_right_arithmetic3A_592 = arith.shrsi %squeeze3A_576, %shift_right_arithmetic3A_591 : i32
      %shift_left3A_593 = arith.constant 4 : i32
      %shift_left3A_594 = arith.shli %shift_right_arithmetic3A_592, %shift_left3A_593 : i32
      %get3A_595 = arith.index_cast %shift_left3A_594 : i32 to index
      %get3A_596 = tpu.vector_load %arg5[%get3A_595] {strides = array<i32>} : memref<102400xf32, #tpu.memory_space<vmem>>, vector<16xf32>,
      %get3A_597 = vector.shape_cast %get3A_596 : vector<16xf32> to vector<16xf32>
      %and3A_598 = arith.constant 15 : i32
      %and3A_599 = arith.andi %squeeze3A_576, %and3A_598 : i32
      %eq3A_600 = vector.broadcast %and3A_599 : i32 to vector<16xi32>
      %eq3A_601 = arith.cmpi eq, %iota3A, %eq3A_600 : vector<16xi32>
      %broadcast_in_dim3A_602 = vector.broadcast %scan3A_16 : f32 to vector<16xf32>
      %select_n3A_603 = arith.select %eq3A_601, %broadcast_in_dim3A_602, %get3A_597 : vector<16xi1>, vector<16xf32>
      %swap3A_604 = arith.index_cast %shift_left3A_594 : i32 to index
      %swap3A_605 = tpu.vector_load %arg5[%swap3A_604] {strides = array<i32>} : memref<102400xf32, #tpu.memory_space<vmem>>, vector<16xf32>,
      %swap3A_606 = vector.shape_cast %swap3A_605 : vector<16xf32> to vector<16xf32>
      %swap3A_607 = vector.shape_cast %select_n3A_603 : vector<16xf32> to vector<16xf32>
      tpu.vector_store %arg5[%swap3A_604], %swap3A_607 {strides = array<i32>} : memref<102400xf32, #tpu.memory_space<vmem>>, vector<16xf32>,
      %get3A_608 = arith.index_cast %mul3A_323 : i32 to index
      %get3A_609 = tpu.vector_load %arg5[%get3A_608] {strides = array<i32>} : memref<102400xf32, #tpu.memory_space<vmem>>, vector<16xf32>,
      %get3A_610 = vector.shape_cast %get3A_609 : vector<16xf32> to vector<16xf32>
      %add3A_611 = arith.constant 16 : i32
      %add3A_612 = arith.addi %mul3A_323, %add3A_611 : i32
      %get3A_613 = arith.index_cast %add3A_612 : i32 to index
      %get3A_614 = tpu.vector_load %arg5[%get3A_613] {strides = array<i32>} : memref<102400xf32, #tpu.memory_space<vmem>>, vector<16xf32>,
      %get3A_615 = vector.shape_cast %get3A_614 : vector<16xf32> to vector<16xf32>
      %max3A = arith.maximumf %get3A_610, %get3A_615 : vector<16xf32>
      %add3A_616 = arith.constant 32 : i32
      %add3A_617 = arith.addi %mul3A_323, %add3A_616 : i32
      %get3A_618 = arith.index_cast %add3A_617 : i32 to index
      %get3A_619 = tpu.vector_load %arg5[%get3A_618] {strides = array<i32>} : memref<102400xf32, #tpu.memory_space<vmem>>, vector<16xf32>,
      %get3A_620 = vector.shape_cast %get3A_619 : vector<16xf32> to vector<16xf32>
      %max3A_621 = arith.maximumf %max3A, %get3A_620 : vector<16xf32>
      %add3A_622 = arith.constant 48 : i32
      %add3A_623 = arith.addi %mul3A_323, %add3A_622 : i32
      %get3A_624 = arith.index_cast %add3A_623 : i32 to index
      %get3A_625 = tpu.vector_load %arg5[%get3A_624] {strides = array<i32>} : memref<102400xf32, #tpu.memory_space<vmem>>, vector<16xf32>,
      %get3A_626 = vector.shape_cast %get3A_625 : vector<16xf32> to vector<16xf32>
      %max3A_627 = arith.maximumf %max3A_621, %get3A_626 : vector<16xf32>
      %add3A_628 = arith.constant 64 : i32
      %add3A_629 = arith.addi %mul3A_323, %add3A_628 : i32
      %get3A_630 = arith.index_cast %add3A_629 : i32 to index
      %get3A_631 = tpu.vector_load %arg5[%get3A_630] {strides = array<i32>} : memref<102400xf32, #tpu.memory_space<vmem>>, vector<16xf32>,
      %get3A_632 = vector.shape_cast %get3A_631 : vector<16xf32> to vector<16xf32>
      %max3A_633 = arith.maximumf %max3A_627, %get3A_632 : vector<16xf32>
      %add3A_634 = arith.constant 80 : i32
      %add3A_635 = arith.addi %mul3A_323, %add3A_634 : i32
      %get3A_636 = arith.index_cast %add3A_635 : i32 to index
      %get3A_637 = tpu.vector_load %arg5[%get3A_636] {strides = array<i32>} : memref<102400xf32, #tpu.memory_space<vmem>>, vector<16xf32>,
      %get3A_638 = vector.shape_cast %get3A_637 : vector<16xf32> to vector<16xf32>
      %max3A_639 = arith.maximumf %max3A_633, %get3A_638 : vector<16xf32>
      %add3A_640 = arith.constant 96 : i32
      %add3A_641 = arith.addi %mul3A_323, %add3A_640 : i32
      %get3A_642 = arith.index_cast %add3A_641 : i32 to index
      %get3A_643 = tpu.vector_load %arg5[%get3A_642] {strides = array<i32>} : memref<102400xf32, #tpu.memory_space<vmem>>, vector<16xf32>,
      %get3A_644 = vector.shape_cast %get3A_643 : vector<16xf32> to vector<16xf32>
      %max3A_645 = arith.maximumf %max3A_639, %get3A_644 : vector<16xf32>
      %add3A_646 = arith.constant 112 : i32
      %add3A_647 = arith.addi %mul3A_323, %add3A_646 : i32
      %get3A_648 = arith.index_cast %add3A_647 : i32 to index
      %get3A_649 = tpu.vector_load %arg5[%get3A_648] {strides = array<i32>} : memref<102400xf32, #tpu.memory_space<vmem>>, vector<16xf32>,
      %get3A_650 = vector.shape_cast %get3A_649 : vector<16xf32> to vector<16xf32>
      %max3A_651 = arith.maximumf %max3A_645, %get3A_650 : vector<16xf32>
      %add3A_652 = arith.constant 128 : i32
      %add3A_653 = arith.addi %mul3A_323, %add3A_652 : i32
      %get3A_654 = arith.index_cast %add3A_653 : i32 to index
      %get3A_655 = tpu.vector_load %arg5[%get3A_654] {strides = array<i32>} : memref<102400xf32, #tpu.memory_space<vmem>>, vector<16xf32>,
      %get3A_656 = vector.shape_cast %get3A_655 : vector<16xf32> to vector<16xf32>
      %max3A_657 = arith.maximumf %max3A_651, %get3A_656 : vector<16xf32>
      %add3A_658 = arith.constant 144 : i32
      %add3A_659 = arith.addi %mul3A_323, %add3A_658 : i32
      %get3A_660 = arith.index_cast %add3A_659 : i32 to index
      %get3A_661 = tpu.vector_load %arg5[%get3A_660] {strides = array<i32>} : memref<102400xf32, #tpu.memory_space<vmem>>, vector<16xf32>,
      %get3A_662 = vector.shape_cast %get3A_661 : vector<16xf32> to vector<16xf32>
      %max3A_663 = arith.maximumf %max3A_657, %get3A_662 : vector<16xf32>
      %add3A_664 = arith.constant 160 : i32
      %add3A_665 = arith.addi %mul3A_323, %add3A_664 : i32
      %get3A_666 = arith.index_cast %add3A_665 : i32 to index
      %get3A_667 = tpu.vector_load %arg5[%get3A_666] {strides = array<i32>} : memref<102400xf32, #tpu.memory_space<vmem>>, vector<16xf32>,
      %get3A_668 = vector.shape_cast %get3A_667 : vector<16xf32> to vector<16xf32>
      %max3A_669 = arith.maximumf %max3A_663, %get3A_668 : vector<16xf32>
      %add3A_670 = arith.constant 176 : i32
      %add3A_671 = arith.addi %mul3A_323, %add3A_670 : i32
      %get3A_672 = arith.index_cast %add3A_671 : i32 to index
      %get3A_673 = tpu.vector_load %arg5[%get3A_672] {strides = array<i32>} : memref<102400xf32, #tpu.memory_space<vmem>>, vector<16xf32>,
      %get3A_674 = vector.shape_cast %get3A_673 : vector<16xf32> to vector<16xf32>
      %max3A_675 = arith.maximumf %max3A_669, %get3A_674 : vector<16xf32>
      %add3A_676 = arith.constant 192 : i32
      %add3A_677 = arith.addi %mul3A_323, %add3A_676 : i32
      %get3A_678 = arith.index_cast %add3A_677 : i32 to index
      %get3A_679 = tpu.vector_load %arg5[%get3A_678] {strides = array<i32>} : memref<102400xf32, #tpu.memory_space<vmem>>, vector<16xf32>,
      %get3A_680 = vector.shape_cast %get3A_679 : vector<16xf32> to vector<16xf32>
      %max3A_681 = arith.maximumf %max3A_675, %get3A_680 : vector<16xf32>
      %add3A_682 = arith.constant 208 : i32
      %add3A_683 = arith.addi %mul3A_323, %add3A_682 : i32
      %get3A_684 = arith.index_cast %add3A_683 : i32 to index
      %get3A_685 = tpu.vector_load %arg5[%get3A_684] {strides = array<i32>} : memref<102400xf32, #tpu.memory_space<vmem>>, vector<16xf32>,
      %get3A_686 = vector.shape_cast %get3A_685 : vector<16xf32> to vector<16xf32>
      %max3A_687 = arith.maximumf %max3A_681, %get3A_686 : vector<16xf32>
      %add3A_688 = arith.constant 224 : i32
      %add3A_689 = arith.addi %mul3A_323, %add3A_688 : i32
      %get3A_690 = arith.index_cast %add3A_689 : i32 to index
      %get3A_691 = tpu.vector_load %arg5[%get3A_690] {strides = array<i32>} : memref<102400xf32, #tpu.memory_space<vmem>>, vector<16xf32>,
      %get3A_692 = vector.shape_cast %get3A_691 : vector<16xf32> to vector<16xf32>
      %max3A_693 = arith.maximumf %max3A_687, %get3A_692 : vector<16xf32>
      %add3A_694 = arith.constant 240 : i32
      %add3A_695 = arith.addi %mul3A_323, %add3A_694 : i32
      %get3A_696 = arith.index_cast %add3A_695 : i32 to index
      %get3A_697 = tpu.vector_load %arg5[%get3A_696] {strides = array<i32>} : memref<102400xf32, #tpu.memory_space<vmem>>, vector<16xf32>,
      %get3A_698 = vector.shape_cast %get3A_697 : vector<16xf32> to vector<16xf32>
      %max3A_699 = arith.maximumf %max3A_693, %get3A_698 : vector<16xf32>
      %mul3A_700 = arith.constant 16 : i32
      %mul3A_701 = arith.muli %squeeze3A_320, %mul3A_700 : i32
      %swap3A_702 = arith.index_cast %mul3A_701 : i32 to index
      %swap3A_703 = tpu.vector_load %arg6[%swap3A_702] {strides = array<i32>} : memref<6400xf32, #tpu.memory_space<vmem>>, vector<16xf32>,
      %swap3A_704 = vector.shape_cast %swap3A_703 : vector<16xf32> to vector<16xf32>
      %swap3A_705 = vector.shape_cast %max3A_699 : vector<16xf32> to vector<16xf32>
      tpu.vector_store %arg6[%swap3A_702], %swap3A_705 {strides = array<i32>} : memref<6400xf32, #tpu.memory_space<vmem>>, vector<16xf32>,
      %shift_right_arithmetic3A_706 = arith.constant 4 : i32
      %shift_right_arithmetic3A_707 = arith.shrsi %squeeze3A_320, %shift_right_arithmetic3A_706 : i32
      %mul3A_708 = arith.constant 256 : i32
      %mul3A_709 = arith.muli %shift_right_arithmetic3A_707, %mul3A_708 : i32
      %get3A_710 = arith.index_cast %mul3A_709 : i32 to index
      %get3A_711 = tpu.vector_load %arg6[%get3A_710] {strides = array<i32>} : memref<6400xf32, #tpu.memory_space<vmem>>, vector<16xf32>,
      %get3A_712 = vector.shape_cast %get3A_711 : vector<16xf32> to vector<16xf32>
      %broadcast_in_dim3A_713 = arith.constant 0 : i32
      %broadcast_in_dim3A_714 = vector.broadcast %broadcast_in_dim3A_713 : i32 to vector<16xi32>
      %mul3A_715 = arith.constant 16 : i32
      %mul3A_716 = arith.muli %shift_right_arithmetic3A_707, %mul3A_715 : i32
      %add3A_717 = vector.broadcast %mul3A_716 : i32 to vector<16xi32>
      %add3A_718 = arith.addi %broadcast_in_dim3A_714, %add3A_717 : vector<16xi32>
      %mul3A_719 = arith.constant 256 : i32
      %mul3A_720 = arith.muli %shift_right_arithmetic3A_707, %mul3A_719 : i32
      %add3A_721 = arith.constant 16 : i32
      %add3A_722 = arith.addi %mul3A_720, %add3A_721 : i32
      %get3A_723 = arith.index_cast %add3A_722 : i32 to index
      %get3A_724 = tpu.vector_load %arg6[%get3A_723] {strides = array<i32>} : memref<6400xf32, #tpu.memory_space<vmem>>, vector<16xf32>,
      %get3A_725 = vector.shape_cast %get3A_724 : vector<16xf32> to vector<16xf32>
      %mul3A_726 = arith.constant 16 : i32
      %mul3A_727 = arith.muli %shift_right_arithmetic3A_707, %mul3A_726 : i32
      %add3A_728 = arith.constant 1 : i32
      %add3A_729 = arith.addi %mul3A_727, %add3A_728 : i32
      %broadcast_in_dim3A_730 = arith.constant 0 : i32
      %broadcast_in_dim3A_731 = vector.broadcast %broadcast_in_dim3A_730 : i32 to vector<16xi32>
      %add3A_732 = vector.broadcast %add3A_729 : i32 to vector<16xi32>
      %add3A_733 = arith.addi %add3A_732, %broadcast_in_dim3A_731 : vector<16xi32>
      %gt3A_734 = arith.cmpf ogt, %get3A_725, %get3A_712 : vector<16xf32>
      %select_n3A_735 = arith.select %gt3A_734, %get3A_725, %get3A_712 : vector<16xi1>, vector<16xf32>
      %select_n3A_736 = arith.select %gt3A_734, %add3A_733, %add3A_718 : vector<16xi1>, vector<16xi32>
      %mul3A_737 = arith.constant 256 : i32
      %mul3A_738 = arith.muli %shift_right_arithmetic3A_707, %mul3A_737 : i32
      %add3A_739 = arith.constant 32 : i32
      %add3A_740 = arith.addi %mul3A_738, %add3A_739 : i32
      %get3A_741 = arith.index_cast %add3A_740 : i32 to index
      %get3A_742 = tpu.vector_load %arg6[%get3A_741] {strides = array<i32>} : memref<6400xf32, #tpu.memory_space<vmem>>, vector<16xf32>,
      %get3A_743 = vector.shape_cast %get3A_742 : vector<16xf32> to vector<16xf32>
      %mul3A_744 = arith.constant 16 : i32
      %mul3A_745 = arith.muli %shift_right_arithmetic3A_707, %mul3A_744 : i32
      %add3A_746 = arith.constant 2 : i32
      %add3A_747 = arith.addi %mul3A_745, %add3A_746 : i32
      %broadcast_in_dim3A_748 = arith.constant 0 : i32
      %broadcast_in_dim3A_749 = vector.broadcast %broadcast_in_dim3A_748 : i32 to vector<16xi32>
      %add3A_750 = vector.broadcast %add3A_747 : i32 to vector<16xi32>
      %add3A_751 = arith.addi %add3A_750, %broadcast_in_dim3A_749 : vector<16xi32>
      %gt3A_752 = arith.cmpf ogt, %get3A_743, %select_n3A_735 : vector<16xf32>
      %select_n3A_753 = arith.select %gt3A_752, %get3A_743, %select_n3A_735 : vector<16xi1>, vector<16xf32>
      %select_n3A_754 = arith.select %gt3A_752, %add3A_751, %select_n3A_736 : vector<16xi1>, vector<16xi32>
      %mul3A_755 = arith.constant 256 : i32
      %mul3A_756 = arith.muli %shift_right_arithmetic3A_707, %mul3A_755 : i32
      %add3A_757 = arith.constant 48 : i32
      %add3A_758 = arith.addi %mul3A_756, %add3A_757 : i32
      %get3A_759 = arith.index_cast %add3A_758 : i32 to index
      %get3A_760 = tpu.vector_load %arg6[%get3A_759] {strides = array<i32>} : memref<6400xf32, #tpu.memory_space<vmem>>, vector<16xf32>,
      %get3A_761 = vector.shape_cast %get3A_760 : vector<16xf32> to vector<16xf32>
      %mul3A_762 = arith.constant 16 : i32
      %mul3A_763 = arith.muli %shift_right_arithmetic3A_707, %mul3A_762 : i32
      %add3A_764 = arith.constant 3 : i32
      %add3A_765 = arith.addi %mul3A_763, %add3A_764 : i32
      %broadcast_in_dim3A_766 = arith.constant 0 : i32
      %broadcast_in_dim3A_767 = vector.broadcast %broadcast_in_dim3A_766 : i32 to vector<16xi32>
      %add3A_768 = vector.broadcast %add3A_765 : i32 to vector<16xi32>
      %add3A_769 = arith.addi %add3A_768, %broadcast_in_dim3A_767 : vector<16xi32>
      %gt3A_770 = arith.cmpf ogt, %get3A_761, %select_n3A_753 : vector<16xf32>
      %select_n3A_771 = arith.select %gt3A_770, %get3A_761, %select_n3A_753 : vector<16xi1>, vector<16xf32>
      %select_n3A_772 = arith.select %gt3A_770, %add3A_769, %select_n3A_754 : vector<16xi1>, vector<16xi32>
      %mul3A_773 = arith.constant 256 : i32
      %mul3A_774 = arith.muli %shift_right_arithmetic3A_707, %mul3A_773 : i32
      %add3A_775 = arith.constant 64 : i32
      %add3A_776 = arith.addi %mul3A_774, %add3A_775 : i32
      %get3A_777 = arith.index_cast %add3A_776 : i32 to index
      %get3A_778 = tpu.vector_load %arg6[%get3A_777] {strides = array<i32>} : memref<6400xf32, #tpu.memory_space<vmem>>, vector<16xf32>,
      %get3A_779 = vector.shape_cast %get3A_778 : vector<16xf32> to vector<16xf32>
      %mul3A_780 = arith.constant 16 : i32
      %mul3A_781 = arith.muli %shift_right_arithmetic3A_707, %mul3A_780 : i32
      %add3A_782 = arith.constant 4 : i32
      %add3A_783 = arith.addi %mul3A_781, %add3A_782 : i32
      %broadcast_in_dim3A_784 = arith.constant 0 : i32
      %broadcast_in_dim3A_785 = vector.broadcast %broadcast_in_dim3A_784 : i32 to vector<16xi32>
      %add3A_786 = vector.broadcast %add3A_783 : i32 to vector<16xi32>
      %add3A_787 = arith.addi %add3A_786, %broadcast_in_dim3A_785 : vector<16xi32>
      %gt3A_788 = arith.cmpf ogt, %get3A_779, %select_n3A_771 : vector<16xf32>
      %select_n3A_789 = arith.select %gt3A_788, %get3A_779, %select_n3A_771 : vector<16xi1>, vector<16xf32>
      %select_n3A_790 = arith.select %gt3A_788, %add3A_787, %select_n3A_772 : vector<16xi1>, vector<16xi32>
      %mul3A_791 = arith.constant 256 : i32
      %mul3A_792 = arith.muli %shift_right_arithmetic3A_707, %mul3A_791 : i32
      %add3A_793 = arith.constant 80 : i32
      %add3A_794 = arith.addi %mul3A_792, %add3A_793 : i32
      %get3A_795 = arith.index_cast %add3A_794 : i32 to index
      %get3A_796 = tpu.vector_load %arg6[%get3A_795] {strides = array<i32>} : memref<6400xf32, #tpu.memory_space<vmem>>, vector<16xf32>,
      %get3A_797 = vector.shape_cast %get3A_796 : vector<16xf32> to vector<16xf32>
      %mul3A_798 = arith.constant 16 : i32
      %mul3A_799 = arith.muli %shift_right_arithmetic3A_707, %mul3A_798 : i32
      %add3A_800 = arith.constant 5 : i32
      %add3A_801 = arith.addi %mul3A_799, %add3A_800 : i32
      %broadcast_in_dim3A_802 = arith.constant 0 : i32
      %broadcast_in_dim3A_803 = vector.broadcast %broadcast_in_dim3A_802 : i32 to vector<16xi32>
      %add3A_804 = vector.broadcast %add3A_801 : i32 to vector<16xi32>
      %add3A_805 = arith.addi %add3A_804, %broadcast_in_dim3A_803 : vector<16xi32>
      %gt3A_806 = arith.cmpf ogt, %get3A_797, %select_n3A_789 : vector<16xf32>
      %select_n3A_807 = arith.select %gt3A_806, %get3A_797, %select_n3A_789 : vector<16xi1>, vector<16xf32>
      %select_n3A_808 = arith.select %gt3A_806, %add3A_805, %select_n3A_790 : vector<16xi1>, vector<16xi32>
      %mul3A_809 = arith.constant 256 : i32
      %mul3A_810 = arith.muli %shift_right_arithmetic3A_707, %mul3A_809 : i32
      %add3A_811 = arith.constant 96 : i32
      %add3A_812 = arith.addi %mul3A_810, %add3A_811 : i32
      %get3A_813 = arith.index_cast %add3A_812 : i32 to index
      %get3A_814 = tpu.vector_load %arg6[%get3A_813] {strides = array<i32>} : memref<6400xf32, #tpu.memory_space<vmem>>, vector<16xf32>,
      %get3A_815 = vector.shape_cast %get3A_814 : vector<16xf32> to vector<16xf32>
      %mul3A_816 = arith.constant 16 : i32
      %mul3A_817 = arith.muli %shift_right_arithmetic3A_707, %mul3A_816 : i32
      %add3A_818 = arith.constant 6 : i32
      %add3A_819 = arith.addi %mul3A_817, %add3A_818 : i32
      %broadcast_in_dim3A_820 = arith.constant 0 : i32
      %broadcast_in_dim3A_821 = vector.broadcast %broadcast_in_dim3A_820 : i32 to vector<16xi32>
      %add3A_822 = vector.broadcast %add3A_819 : i32 to vector<16xi32>
      %add3A_823 = arith.addi %add3A_822, %broadcast_in_dim3A_821 : vector<16xi32>
      %gt3A_824 = arith.cmpf ogt, %get3A_815, %select_n3A_807 : vector<16xf32>
      %select_n3A_825 = arith.select %gt3A_824, %get3A_815, %select_n3A_807 : vector<16xi1>, vector<16xf32>
      %select_n3A_826 = arith.select %gt3A_824, %add3A_823, %select_n3A_808 : vector<16xi1>, vector<16xi32>
      %mul3A_827 = arith.constant 256 : i32
      %mul3A_828 = arith.muli %shift_right_arithmetic3A_707, %mul3A_827 : i32
      %add3A_829 = arith.constant 112 : i32
      %add3A_830 = arith.addi %mul3A_828, %add3A_829 : i32
      %get3A_831 = arith.index_cast %add3A_830 : i32 to index
      %get3A_832 = tpu.vector_load %arg6[%get3A_831] {strides = array<i32>} : memref<6400xf32, #tpu.memory_space<vmem>>, vector<16xf32>,
      %get3A_833 = vector.shape_cast %get3A_832 : vector<16xf32> to vector<16xf32>
      %mul3A_834 = arith.constant 16 : i32
      %mul3A_835 = arith.muli %shift_right_arithmetic3A_707, %mul3A_834 : i32
      %add3A_836 = arith.constant 7 : i32
      %add3A_837 = arith.addi %mul3A_835, %add3A_836 : i32
      %broadcast_in_dim3A_838 = arith.constant 0 : i32
      %broadcast_in_dim3A_839 = vector.broadcast %broadcast_in_dim3A_838 : i32 to vector<16xi32>
      %add3A_840 = vector.broadcast %add3A_837 : i32 to vector<16xi32>
      %add3A_841 = arith.addi %add3A_840, %broadcast_in_dim3A_839 : vector<16xi32>
      %gt3A_842 = arith.cmpf ogt, %get3A_833, %select_n3A_825 : vector<16xf32>
      %select_n3A_843 = arith.select %gt3A_842, %get3A_833, %select_n3A_825 : vector<16xi1>, vector<16xf32>
      %select_n3A_844 = arith.select %gt3A_842, %add3A_841, %select_n3A_826 : vector<16xi1>, vector<16xi32>
      %mul3A_845 = arith.constant 256 : i32
      %mul3A_846 = arith.muli %shift_right_arithmetic3A_707, %mul3A_845 : i32
      %add3A_847 = arith.constant 128 : i32
      %add3A_848 = arith.addi %mul3A_846, %add3A_847 : i32
      %get3A_849 = arith.index_cast %add3A_848 : i32 to index
      %get3A_850 = tpu.vector_load %arg6[%get3A_849] {strides = array<i32>} : memref<6400xf32, #tpu.memory_space<vmem>>, vector<16xf32>,
      %get3A_851 = vector.shape_cast %get3A_850 : vector<16xf32> to vector<16xf32>
      %mul3A_852 = arith.constant 16 : i32
      %mul3A_853 = arith.muli %shift_right_arithmetic3A_707, %mul3A_852 : i32
      %add3A_854 = arith.constant 8 : i32
      %add3A_855 = arith.addi %mul3A_853, %add3A_854 : i32
      %broadcast_in_dim3A_856 = arith.constant 0 : i32
      %broadcast_in_dim3A_857 = vector.broadcast %broadcast_in_dim3A_856 : i32 to vector<16xi32>
      %add3A_858 = vector.broadcast %add3A_855 : i32 to vector<16xi32>
      %add3A_859 = arith.addi %add3A_858, %broadcast_in_dim3A_857 : vector<16xi32>
      %gt3A_860 = arith.cmpf ogt, %get3A_851, %select_n3A_843 : vector<16xf32>
      %select_n3A_861 = arith.select %gt3A_860, %get3A_851, %select_n3A_843 : vector<16xi1>, vector<16xf32>
      %select_n3A_862 = arith.select %gt3A_860, %add3A_859, %select_n3A_844 : vector<16xi1>, vector<16xi32>
      %mul3A_863 = arith.constant 256 : i32
      %mul3A_864 = arith.muli %shift_right_arithmetic3A_707, %mul3A_863 : i32
      %add3A_865 = arith.constant 144 : i32
      %add3A_866 = arith.addi %mul3A_864, %add3A_865 : i32
      %get3A_867 = arith.index_cast %add3A_866 : i32 to index
      %get3A_868 = tpu.vector_load %arg6[%get3A_867] {strides = array<i32>} : memref<6400xf32, #tpu.memory_space<vmem>>, vector<16xf32>,
      %get3A_869 = vector.shape_cast %get3A_868 : vector<16xf32> to vector<16xf32>
      %mul3A_870 = arith.constant 16 : i32
      %mul3A_871 = arith.muli %shift_right_arithmetic3A_707, %mul3A_870 : i32
      %add3A_872 = arith.constant 9 : i32
      %add3A_873 = arith.addi %mul3A_871, %add3A_872 : i32
      %broadcast_in_dim3A_874 = arith.constant 0 : i32
      %broadcast_in_dim3A_875 = vector.broadcast %broadcast_in_dim3A_874 : i32 to vector<16xi32>
      %add3A_876 = vector.broadcast %add3A_873 : i32 to vector<16xi32>
      %add3A_877 = arith.addi %add3A_876, %broadcast_in_dim3A_875 : vector<16xi32>
      %gt3A_878 = arith.cmpf ogt, %get3A_869, %select_n3A_861 : vector<16xf32>
      %select_n3A_879 = arith.select %gt3A_878, %get3A_869, %select_n3A_861 : vector<16xi1>, vector<16xf32>
      %select_n3A_880 = arith.select %gt3A_878, %add3A_877, %select_n3A_862 : vector<16xi1>, vector<16xi32>
      %mul3A_881 = arith.constant 256 : i32
      %mul3A_882 = arith.muli %shift_right_arithmetic3A_707, %mul3A_881 : i32
      %add3A_883 = arith.constant 160 : i32
      %add3A_884 = arith.addi %mul3A_882, %add3A_883 : i32
      %get3A_885 = arith.index_cast %add3A_884 : i32 to index
      %get3A_886 = tpu.vector_load %arg6[%get3A_885] {strides = array<i32>} : memref<6400xf32, #tpu.memory_space<vmem>>, vector<16xf32>,
      %get3A_887 = vector.shape_cast %get3A_886 : vector<16xf32> to vector<16xf32>
      %mul3A_888 = arith.constant 16 : i32
      %mul3A_889 = arith.muli %shift_right_arithmetic3A_707, %mul3A_888 : i32
      %add3A_890 = arith.constant 10 : i32
      %add3A_891 = arith.addi %mul3A_889, %add3A_890 : i32
      %broadcast_in_dim3A_892 = arith.constant 0 : i32
      %broadcast_in_dim3A_893 = vector.broadcast %broadcast_in_dim3A_892 : i32 to vector<16xi32>
      %add3A_894 = vector.broadcast %add3A_891 : i32 to vector<16xi32>
      %add3A_895 = arith.addi %add3A_894, %broadcast_in_dim3A_893 : vector<16xi32>
      %gt3A_896 = arith.cmpf ogt, %get3A_887, %select_n3A_879 : vector<16xf32>
      %select_n3A_897 = arith.select %gt3A_896, %get3A_887, %select_n3A_879 : vector<16xi1>, vector<16xf32>
      %select_n3A_898 = arith.select %gt3A_896, %add3A_895, %select_n3A_880 : vector<16xi1>, vector<16xi32>
      %mul3A_899 = arith.constant 256 : i32
      %mul3A_900 = arith.muli %shift_right_arithmetic3A_707, %mul3A_899 : i32
      %add3A_901 = arith.constant 176 : i32
      %add3A_902 = arith.addi %mul3A_900, %add3A_901 : i32
      %get3A_903 = arith.index_cast %add3A_902 : i32 to index
      %get3A_904 = tpu.vector_load %arg6[%get3A_903] {strides = array<i32>} : memref<6400xf32, #tpu.memory_space<vmem>>, vector<16xf32>,
      %get3A_905 = vector.shape_cast %get3A_904 : vector<16xf32> to vector<16xf32>
      %mul3A_906 = arith.constant 16 : i32
      %mul3A_907 = arith.muli %shift_right_arithmetic3A_707, %mul3A_906 : i32
      %add3A_908 = arith.constant 11 : i32
      %add3A_909 = arith.addi %mul3A_907, %add3A_908 : i32
      %broadcast_in_dim3A_910 = arith.constant 0 : i32
      %broadcast_in_dim3A_911 = vector.broadcast %broadcast_in_dim3A_910 : i32 to vector<16xi32>
      %add3A_912 = vector.broadcast %add3A_909 : i32 to vector<16xi32>
      %add3A_913 = arith.addi %add3A_912, %broadcast_in_dim3A_911 : vector<16xi32>
      %gt3A_914 = arith.cmpf ogt, %get3A_905, %select_n3A_897 : vector<16xf32>
      %select_n3A_915 = arith.select %gt3A_914, %get3A_905, %select_n3A_897 : vector<16xi1>, vector<16xf32>
      %select_n3A_916 = arith.select %gt3A_914, %add3A_913, %select_n3A_898 : vector<16xi1>, vector<16xi32>
      %mul3A_917 = arith.constant 256 : i32
      %mul3A_918 = arith.muli %shift_right_arithmetic3A_707, %mul3A_917 : i32
      %add3A_919 = arith.constant 192 : i32
      %add3A_920 = arith.addi %mul3A_918, %add3A_919 : i32
      %get3A_921 = arith.index_cast %add3A_920 : i32 to index
      %get3A_922 = tpu.vector_load %arg6[%get3A_921] {strides = array<i32>} : memref<6400xf32, #tpu.memory_space<vmem>>, vector<16xf32>,
      %get3A_923 = vector.shape_cast %get3A_922 : vector<16xf32> to vector<16xf32>
      %mul3A_924 = arith.constant 16 : i32
      %mul3A_925 = arith.muli %shift_right_arithmetic3A_707, %mul3A_924 : i32
      %add3A_926 = arith.constant 12 : i32
      %add3A_927 = arith.addi %mul3A_925, %add3A_926 : i32
      %broadcast_in_dim3A_928 = arith.constant 0 : i32
      %broadcast_in_dim3A_929 = vector.broadcast %broadcast_in_dim3A_928 : i32 to vector<16xi32>
      %add3A_930 = vector.broadcast %add3A_927 : i32 to vector<16xi32>
      %add3A_931 = arith.addi %add3A_930, %broadcast_in_dim3A_929 : vector<16xi32>
      %gt3A_932 = arith.cmpf ogt, %get3A_923, %select_n3A_915 : vector<16xf32>
      %select_n3A_933 = arith.select %gt3A_932, %get3A_923, %select_n3A_915 : vector<16xi1>, vector<16xf32>
      %select_n3A_934 = arith.select %gt3A_932, %add3A_931, %select_n3A_916 : vector<16xi1>, vector<16xi32>
      %mul3A_935 = arith.constant 256 : i32
      %mul3A_936 = arith.muli %shift_right_arithmetic3A_707, %mul3A_935 : i32
      %add3A_937 = arith.constant 208 : i32
      %add3A_938 = arith.addi %mul3A_936, %add3A_937 : i32
      %get3A_939 = arith.index_cast %add3A_938 : i32 to index
      %get3A_940 = tpu.vector_load %arg6[%get3A_939] {strides = array<i32>} : memref<6400xf32, #tpu.memory_space<vmem>>, vector<16xf32>,
      %get3A_941 = vector.shape_cast %get3A_940 : vector<16xf32> to vector<16xf32>
      %mul3A_942 = arith.constant 16 : i32
      %mul3A_943 = arith.muli %shift_right_arithmetic3A_707, %mul3A_942 : i32
      %add3A_944 = arith.constant 13 : i32
      %add3A_945 = arith.addi %mul3A_943, %add3A_944 : i32
      %broadcast_in_dim3A_946 = arith.constant 0 : i32
      %broadcast_in_dim3A_947 = vector.broadcast %broadcast_in_dim3A_946 : i32 to vector<16xi32>
      %add3A_948 = vector.broadcast %add3A_945 : i32 to vector<16xi32>
      %add3A_949 = arith.addi %add3A_948, %broadcast_in_dim3A_947 : vector<16xi32>
      %gt3A_950 = arith.cmpf ogt, %get3A_941, %select_n3A_933 : vector<16xf32>
      %select_n3A_951 = arith.select %gt3A_950, %get3A_941, %select_n3A_933 : vector<16xi1>, vector<16xf32>
      %select_n3A_952 = arith.select %gt3A_950, %add3A_949, %select_n3A_934 : vector<16xi1>, vector<16xi32>
      %mul3A_953 = arith.constant 256 : i32
      %mul3A_954 = arith.muli %shift_right_arithmetic3A_707, %mul3A_953 : i32
      %add3A_955 = arith.constant 224 : i32
      %add3A_956 = arith.addi %mul3A_954, %add3A_955 : i32
      %get3A_957 = arith.index_cast %add3A_956 : i32 to index
      %get3A_958 = tpu.vector_load %arg6[%get3A_957] {strides = array<i32>} : memref<6400xf32, #tpu.memory_space<vmem>>, vector<16xf32>,
      %get3A_959 = vector.shape_cast %get3A_958 : vector<16xf32> to vector<16xf32>
      %mul3A_960 = arith.constant 16 : i32
      %mul3A_961 = arith.muli %shift_right_arithmetic3A_707, %mul3A_960 : i32
      %add3A_962 = arith.constant 14 : i32
      %add3A_963 = arith.addi %mul3A_961, %add3A_962 : i32
      %broadcast_in_dim3A_964 = arith.constant 0 : i32
      %broadcast_in_dim3A_965 = vector.broadcast %broadcast_in_dim3A_964 : i32 to vector<16xi32>
      %add3A_966 = vector.broadcast %add3A_963 : i32 to vector<16xi32>
      %add3A_967 = arith.addi %add3A_966, %broadcast_in_dim3A_965 : vector<16xi32>
      %gt3A_968 = arith.cmpf ogt, %get3A_959, %select_n3A_951 : vector<16xf32>
      %select_n3A_969 = arith.select %gt3A_968, %get3A_959, %select_n3A_951 : vector<16xi1>, vector<16xf32>
      %select_n3A_970 = arith.select %gt3A_968, %add3A_967, %select_n3A_952 : vector<16xi1>, vector<16xi32>
      %mul3A_971 = arith.constant 256 : i32
      %mul3A_972 = arith.muli %shift_right_arithmetic3A_707, %mul3A_971 : i32
      %add3A_973 = arith.constant 240 : i32
      %add3A_974 = arith.addi %mul3A_972, %add3A_973 : i32
      %get3A_975 = arith.index_cast %add3A_974 : i32 to index
      %get3A_976 = tpu.vector_load %arg6[%get3A_975] {strides = array<i32>} : memref<6400xf32, #tpu.memory_space<vmem>>, vector<16xf32>,
      %get3A_977 = vector.shape_cast %get3A_976 : vector<16xf32> to vector<16xf32>
      %mul3A_978 = arith.constant 16 : i32
      %mul3A_979 = arith.muli %shift_right_arithmetic3A_707, %mul3A_978 : i32
      %add3A_980 = arith.constant 15 : i32
      %add3A_981 = arith.addi %mul3A_979, %add3A_980 : i32
      %broadcast_in_dim3A_982 = arith.constant 0 : i32
      %broadcast_in_dim3A_983 = vector.broadcast %broadcast_in_dim3A_982 : i32 to vector<16xi32>
      %add3A_984 = vector.broadcast %add3A_981 : i32 to vector<16xi32>
      %add3A_985 = arith.addi %add3A_984, %broadcast_in_dim3A_983 : vector<16xi32>
      %gt3A_986 = arith.cmpf ogt, %get3A_977, %select_n3A_969 : vector<16xf32>
      %select_n3A_987 = arith.select %gt3A_986, %get3A_977, %select_n3A_969 : vector<16xi1>, vector<16xf32>
      %select_n3A_988 = arith.select %gt3A_986, %add3A_985, %select_n3A_970 : vector<16xi1>, vector<16xi32>
      %mul3A_989 = arith.constant 16 : i32
      %mul3A_990 = arith.muli %shift_right_arithmetic3A_707, %mul3A_989 : i32
      %swap3A_991 = arith.index_cast %mul3A_990 : i32 to index
      %swap3A_992 = tpu.vector_load %arg7[%swap3A_991] {strides = array<i32>} : memref<400xf32, #tpu.memory_space<vmem>>, vector<16xf32>,
      %swap3A_993 = vector.shape_cast %swap3A_992 : vector<16xf32> to vector<16xf32>
      %swap3A_994 = vector.shape_cast %select_n3A_987 : vector<16xf32> to vector<16xf32>
      tpu.vector_store %arg7[%swap3A_991], %swap3A_994 {strides = array<i32>} : memref<400xf32, #tpu.memory_space<vmem>>, vector<16xf32>,
      %mul3A_995 = arith.constant 16 : i32
      %mul3A_996 = arith.muli %shift_right_arithmetic3A_707, %mul3A_995 : i32
      %swap3A_997 = arith.index_cast %mul3A_996 : i32 to index
      %swap3A_998 = tpu.vector_load %arg8[%swap3A_997] {strides = array<i32>} : memref<400xi32, #tpu.memory_space<vmem>>, vector<16xi32>,
      %swap3A_999 = vector.shape_cast %swap3A_998 : vector<16xi32> to vector<16xi32>
      %swap3A_1000 = vector.shape_cast %select_n3A_988 : vector<16xi32> to vector<16xi32>
      tpu.vector_store %arg8[%swap3A_997], %swap3A_1000 {strides = array<i32>} : memref<400xi32, #tpu.memory_space<vmem>>, vector<16xi32>,
    }
    %scan3A_21 = arith.constant 64 : i32
    %broadcast_in_dim3A_22 = arith.constant 0.000000e+00 : f32
    %broadcast_in_dim3A_23 = vector.broadcast %broadcast_in_dim3A_22 : f32 to vector<16xf32>
    %scan3A_24 = arith.constant 0 : i32
    %scan3A_25 = arith.constant 0 : i32
    %scan3A_26 = arith.constant 400 : i32
    %scan3A_27 = arith.addi %scan3A_25, %scan3A_26 : i32
    %scan3A_28 = arith.constant 1 : i32
    scf.for %scan3A_40 = %scan3A_25 to %scan3A_27 step %scan3A_28  : i32 {
      %mul3A_41 = arith.constant 256 : i32
      %mul3A_42 = arith.muli %scan3A_40, %mul3A_41 : i32
      %add3A_43 = arith.constant 0 : i32
      %add3A_44 = arith.addi %mul3A_42, %add3A_43 : i32
      %swap3A = arith.index_cast %add3A_44 : i32 to index
      %swap3A_45 = tpu.vector_load %arg5[%swap3A] {strides = array<i32>} : memref<102400xf32, #tpu.memory_space<vmem>>, vector<16xf32>,
      %swap3A_46 = vector.shape_cast %swap3A_45 : vector<16xf32> to vector<16xf32>
      %swap3A_47 = vector.shape_cast %broadcast_in_dim3A_23 : vector<16xf32> to vector<16xf32>
      tpu.vector_store %arg5[%swap3A], %swap3A_47 {strides = array<i32>} : memref<102400xf32, #tpu.memory_space<vmem>>, vector<16xf32>,
      %add3A_48 = arith.constant 16 : i32
      %add3A_49 = arith.addi %mul3A_42, %add3A_48 : i32
      %swap3A_50 = arith.index_cast %add3A_49 : i32 to index
      %swap3A_51 = tpu.vector_load %arg5[%swap3A_50] {strides = array<i32>} : memref<102400xf32, #tpu.memory_space<vmem>>, vector<16xf32>,
      %swap3A_52 = vector.shape_cast %swap3A_51 : vector<16xf32> to vector<16xf32>
      %swap3A_53 = vector.shape_cast %broadcast_in_dim3A_23 : vector<16xf32> to vector<16xf32>
      tpu.vector_store %arg5[%swap3A_50], %swap3A_53 {strides = array<i32>} : memref<102400xf32, #tpu.memory_space<vmem>>, vector<16xf32>,
      %add3A_54 = arith.constant 32 : i32
      %add3A_55 = arith.addi %mul3A_42, %add3A_54 : i32
      %swap3A_56 = arith.index_cast %add3A_55 : i32 to index
      %swap3A_57 = tpu.vector_load %arg5[%swap3A_56] {strides = array<i32>} : memref<102400xf32, #tpu.memory_space<vmem>>, vector<16xf32>,
      %swap3A_58 = vector.shape_cast %swap3A_57 : vector<16xf32> to vector<16xf32>
      %swap3A_59 = vector.shape_cast %broadcast_in_dim3A_23 : vector<16xf32> to vector<16xf32>
      tpu.vector_store %arg5[%swap3A_56], %swap3A_59 {strides = array<i32>} : memref<102400xf32, #tpu.memory_space<vmem>>, vector<16xf32>,
      %add3A_60 = arith.constant 48 : i32
      %add3A_61 = arith.addi %mul3A_42, %add3A_60 : i32
      %swap3A_62 = arith.index_cast %add3A_61 : i32 to index
      %swap3A_63 = tpu.vector_load %arg5[%swap3A_62] {strides = array<i32>} : memref<102400xf32, #tpu.memory_space<vmem>>, vector<16xf32>,
      %swap3A_64 = vector.shape_cast %swap3A_63 : vector<16xf32> to vector<16xf32>
      %swap3A_65 = vector.shape_cast %broadcast_in_dim3A_23 : vector<16xf32> to vector<16xf32>
      tpu.vector_store %arg5[%swap3A_62], %swap3A_65 {strides = array<i32>} : memref<102400xf32, #tpu.memory_space<vmem>>, vector<16xf32>,
      %add3A_66 = arith.constant 64 : i32
      %add3A_67 = arith.addi %mul3A_42, %add3A_66 : i32
      %swap3A_68 = arith.index_cast %add3A_67 : i32 to index
      %swap3A_69 = tpu.vector_load %arg5[%swap3A_68] {strides = array<i32>} : memref<102400xf32, #tpu.memory_space<vmem>>, vector<16xf32>,
      %swap3A_70 = vector.shape_cast %swap3A_69 : vector<16xf32> to vector<16xf32>
      %swap3A_71 = vector.shape_cast %broadcast_in_dim3A_23 : vector<16xf32> to vector<16xf32>
      tpu.vector_store %arg5[%swap3A_68], %swap3A_71 {strides = array<i32>} : memref<102400xf32, #tpu.memory_space<vmem>>, vector<16xf32>,
      %add3A_72 = arith.constant 80 : i32
      %add3A_73 = arith.addi %mul3A_42, %add3A_72 : i32
      %swap3A_74 = arith.index_cast %add3A_73 : i32 to index
      %swap3A_75 = tpu.vector_load %arg5[%swap3A_74] {strides = array<i32>} : memref<102400xf32, #tpu.memory_space<vmem>>, vector<16xf32>,
      %swap3A_76 = vector.shape_cast %swap3A_75 : vector<16xf32> to vector<16xf32>
      %swap3A_77 = vector.shape_cast %broadcast_in_dim3A_23 : vector<16xf32> to vector<16xf32>
      tpu.vector_store %arg5[%swap3A_74], %swap3A_77 {strides = array<i32>} : memref<102400xf32, #tpu.memory_space<vmem>>, vector<16xf32>,
      %add3A_78 = arith.constant 96 : i32
      %add3A_79 = arith.addi %mul3A_42, %add3A_78 : i32
      %swap3A_80 = arith.index_cast %add3A_79 : i32 to index
      %swap3A_81 = tpu.vector_load %arg5[%swap3A_80] {strides = array<i32>} : memref<102400xf32, #tpu.memory_space<vmem>>, vector<16xf32>,
      %swap3A_82 = vector.shape_cast %swap3A_81 : vector<16xf32> to vector<16xf32>
      %swap3A_83 = vector.shape_cast %broadcast_in_dim3A_23 : vector<16xf32> to vector<16xf32>
      tpu.vector_store %arg5[%swap3A_80], %swap3A_83 {strides = array<i32>} : memref<102400xf32, #tpu.memory_space<vmem>>, vector<16xf32>,
      %add3A_84 = arith.constant 112 : i32
      %add3A_85 = arith.addi %mul3A_42, %add3A_84 : i32
      %swap3A_86 = arith.index_cast %add3A_85 : i32 to index
      %swap3A_87 = tpu.vector_load %arg5[%swap3A_86] {strides = array<i32>} : memref<102400xf32, #tpu.memory_space<vmem>>, vector<16xf32>,
      %swap3A_88 = vector.shape_cast %swap3A_87 : vector<16xf32> to vector<16xf32>
      %swap3A_89 = vector.shape_cast %broadcast_in_dim3A_23 : vector<16xf32> to vector<16xf32>
      tpu.vector_store %arg5[%swap3A_86], %swap3A_89 {strides = array<i32>} : memref<102400xf32, #tpu.memory_space<vmem>>, vector<16xf32>,
      %add3A_90 = arith.constant 128 : i32
      %add3A_91 = arith.addi %mul3A_42, %add3A_90 : i32
      %swap3A_92 = arith.index_cast %add3A_91 : i32 to index
      %swap3A_93 = tpu.vector_load %arg5[%swap3A_92] {strides = array<i32>} : memref<102400xf32, #tpu.memory_space<vmem>>, vector<16xf32>,
      %swap3A_94 = vector.shape_cast %swap3A_93 : vector<16xf32> to vector<16xf32>
      %swap3A_95 = vector.shape_cast %broadcast_in_dim3A_23 : vector<16xf32> to vector<16xf32>
      tpu.vector_store %arg5[%swap3A_92], %swap3A_95 {strides = array<i32>} : memref<102400xf32, #tpu.memory_space<vmem>>, vector<16xf32>,
      %add3A_96 = arith.constant 144 : i32
      %add3A_97 = arith.addi %mul3A_42, %add3A_96 : i32
      %swap3A_98 = arith.index_cast %add3A_97 : i32 to index
      %swap3A_99 = tpu.vector_load %arg5[%swap3A_98] {strides = array<i32>} : memref<102400xf32, #tpu.memory_space<vmem>>, vector<16xf32>,
      %swap3A_100 = vector.shape_cast %swap3A_99 : vector<16xf32> to vector<16xf32>
      %swap3A_101 = vector.shape_cast %broadcast_in_dim3A_23 : vector<16xf32> to vector<16xf32>
      tpu.vector_store %arg5[%swap3A_98], %swap3A_101 {strides = array<i32>} : memref<102400xf32, #tpu.memory_space<vmem>>, vector<16xf32>,
      %add3A_102 = arith.constant 160 : i32
      %add3A_103 = arith.addi %mul3A_42, %add3A_102 : i32
      %swap3A_104 = arith.index_cast %add3A_103 : i32 to index
      %swap3A_105 = tpu.vector_load %arg5[%swap3A_104] {strides = array<i32>} : memref<102400xf32, #tpu.memory_space<vmem>>, vector<16xf32>,
      %swap3A_106 = vector.shape_cast %swap3A_105 : vector<16xf32> to vector<16xf32>
      %swap3A_107 = vector.shape_cast %broadcast_in_dim3A_23 : vector<16xf32> to vector<16xf32>
      tpu.vector_store %arg5[%swap3A_104], %swap3A_107 {strides = array<i32>} : memref<102400xf32, #tpu.memory_space<vmem>>, vector<16xf32>,
      %add3A_108 = arith.constant 176 : i32
      %add3A_109 = arith.addi %mul3A_42, %add3A_108 : i32
      %swap3A_110 = arith.index_cast %add3A_109 : i32 to index
      %swap3A_111 = tpu.vector_load %arg5[%swap3A_110] {strides = array<i32>} : memref<102400xf32, #tpu.memory_space<vmem>>, vector<16xf32>,
      %swap3A_112 = vector.shape_cast %swap3A_111 : vector<16xf32> to vector<16xf32>
      %swap3A_113 = vector.shape_cast %broadcast_in_dim3A_23 : vector<16xf32> to vector<16xf32>
      tpu.vector_store %arg5[%swap3A_110], %swap3A_113 {strides = array<i32>} : memref<102400xf32, #tpu.memory_space<vmem>>, vector<16xf32>,
      %add3A_114 = arith.constant 192 : i32
      %add3A_115 = arith.addi %mul3A_42, %add3A_114 : i32
      %swap3A_116 = arith.index_cast %add3A_115 : i32 to index
      %swap3A_117 = tpu.vector_load %arg5[%swap3A_116] {strides = array<i32>} : memref<102400xf32, #tpu.memory_space<vmem>>, vector<16xf32>,
      %swap3A_118 = vector.shape_cast %swap3A_117 : vector<16xf32> to vector<16xf32>
      %swap3A_119 = vector.shape_cast %broadcast_in_dim3A_23 : vector<16xf32> to vector<16xf32>
      tpu.vector_store %arg5[%swap3A_116], %swap3A_119 {strides = array<i32>} : memref<102400xf32, #tpu.memory_space<vmem>>, vector<16xf32>,
      %add3A_120 = arith.constant 208 : i32
      %add3A_121 = arith.addi %mul3A_42, %add3A_120 : i32
      %swap3A_122 = arith.index_cast %add3A_121 : i32 to index
      %swap3A_123 = tpu.vector_load %arg5[%swap3A_122] {strides = array<i32>} : memref<102400xf32, #tpu.memory_space<vmem>>, vector<16xf32>,
      %swap3A_124 = vector.shape_cast %swap3A_123 : vector<16xf32> to vector<16xf32>
      %swap3A_125 = vector.shape_cast %broadcast_in_dim3A_23 : vector<16xf32> to vector<16xf32>
      tpu.vector_store %arg5[%swap3A_122], %swap3A_125 {strides = array<i32>} : memref<102400xf32, #tpu.memory_space<vmem>>, vector<16xf32>,
      %add3A_126 = arith.constant 224 : i32
      %add3A_127 = arith.addi %mul3A_42, %add3A_126 : i32
      %swap3A_128 = arith.index_cast %add3A_127 : i32 to index
      %swap3A_129 = tpu.vector_load %arg5[%swap3A_128] {strides = array<i32>} : memref<102400xf32, #tpu.memory_space<vmem>>, vector<16xf32>,
      %swap3A_130 = vector.shape_cast %swap3A_129 : vector<16xf32> to vector<16xf32>
      %swap3A_131 = vector.shape_cast %broadcast_in_dim3A_23 : vector<16xf32> to vector<16xf32>
      tpu.vector_store %arg5[%swap3A_128], %swap3A_131 {strides = array<i32>} : memref<102400xf32, #tpu.memory_space<vmem>>, vector<16xf32>,
      %add3A_132 = arith.constant 240 : i32
      %add3A_133 = arith.addi %mul3A_42, %add3A_132 : i32
      %swap3A_134 = arith.index_cast %add3A_133 : i32 to index
      %swap3A_135 = tpu.vector_load %arg5[%swap3A_134] {strides = array<i32>} : memref<102400xf32, #tpu.memory_space<vmem>>, vector<16xf32>,
      %swap3A_136 = vector.shape_cast %swap3A_135 : vector<16xf32> to vector<16xf32>
      %swap3A_137 = vector.shape_cast %broadcast_in_dim3A_23 : vector<16xf32> to vector<16xf32>
      tpu.vector_store %arg5[%swap3A_134], %swap3A_137 {strides = array<i32>} : memref<102400xf32, #tpu.memory_space<vmem>>, vector<16xf32>,
    }
    %scan3A_29 = arith.constant 400 : i32
    %scan3A_30 = arith.constant 0 : i32
    %scan3A_31 = arith.constant 0 : i32
    %scan3A_32 = arith.constant 64 : i32
    %scan3A_33 = arith.addi %scan3A_31, %scan3A_32 : i32
    %scan3A_34 = arith.constant 1 : i32
    scf.for %scan3A_40 = %scan3A_31 to %scan3A_33 step %scan3A_34  : i32 {
      %shift_right_arithmetic3A = arith.constant 4 : i32
      %shift_right_arithmetic3A_41 = arith.shrsi %scan3A_40, %shift_right_arithmetic3A : i32
      %shift_left3A = arith.constant 4 : i32
      %shift_left3A_42 = arith.shli %shift_right_arithmetic3A_41, %shift_left3A : i32
      %get3A = arith.index_cast %shift_left3A_42 : i32 to index
      %get3A_43 = tpu.vector_load %arg9[%get3A] {strides = array<i32>} : memref<64xi32, #tpu.memory_space<vmem>>, vector<16xi32>,
      %get3A_44 = vector.shape_cast %get3A_43 : vector<16xi32> to vector<16xi32>
      %and3A = arith.constant 15 : i32
      %and3A_45 = arith.andi %scan3A_40, %and3A : i32
      %eq3A_46 = vector.broadcast %and3A_45 : i32 to vector<16xi32>
      %eq3A_47 = arith.cmpi eq, %iota3A, %eq3A_46 : vector<16xi32>
      %jit3A = arith.constant -2147483648 : i32
      %broadcast_in_dim3A_48 = vector.broadcast %jit3A : i32 to vector<16xi32>
      %select_n3A = arith.select %eq3A_47, %get3A_44, %broadcast_in_dim3A_48 : vector<16xi1>, vector<16xi32>
      %xor3A = arith.constant 8 : i32
      %xor3A_49 = vector.broadcast %xor3A : i32 to vector<16xi32>
      %xor3A_50 = arith.xori %iota3A, %xor3A_49 : vector<16xi32>
      %broadcast_in_dim3A_51 = vector.shape_cast %xor3A_50 : vector<16xi32> to vector<16x1xi32>
      %gather3A = vector.shape_cast %broadcast_in_dim3A_51 : vector<16x1xi32> to vector<16xi32>
      %gather3A_52 = tpu.dynamic_gather %select_n3A[%gather3A] in [0] : vector<16xi32>, vector<16xi32> -> vector<16xi32>
      %max3A = arith.maxsi %select_n3A, %gather3A_52 : vector<16xi32>
      %xor3A_53 = arith.constant 4 : i32
      %xor3A_54 = vector.broadcast %xor3A_53 : i32 to vector<16xi32>
      %xor3A_55 = arith.xori %iota3A, %xor3A_54 : vector<16xi32>
      %broadcast_in_dim3A_56 = vector.shape_cast %xor3A_55 : vector<16xi32> to vector<16x1xi32>
      %gather3A_57 = vector.shape_cast %broadcast_in_dim3A_56 : vector<16x1xi32> to vector<16xi32>
      %gather3A_58 = tpu.dynamic_gather %max3A[%gather3A_57] in [0] : vector<16xi32>, vector<16xi32> -> vector<16xi32>
      %max3A_59 = arith.maxsi %max3A, %gather3A_58 : vector<16xi32>
      %xor3A_60 = arith.constant 2 : i32
      %xor3A_61 = vector.broadcast %xor3A_60 : i32 to vector<16xi32>
      %xor3A_62 = arith.xori %iota3A, %xor3A_61 : vector<16xi32>
      %broadcast_in_dim3A_63 = vector.shape_cast %xor3A_62 : vector<16xi32> to vector<16x1xi32>
      %gather3A_64 = vector.shape_cast %broadcast_in_dim3A_63 : vector<16x1xi32> to vector<16xi32>
      %gather3A_65 = tpu.dynamic_gather %max3A_59[%gather3A_64] in [0] : vector<16xi32>, vector<16xi32> -> vector<16xi32>
      %max3A_66 = arith.maxsi %max3A_59, %gather3A_65 : vector<16xi32>
      %xor3A_67 = arith.constant 1 : i32
      %xor3A_68 = vector.broadcast %xor3A_67 : i32 to vector<16xi32>
      %xor3A_69 = arith.xori %iota3A, %xor3A_68 : vector<16xi32>
      %broadcast_in_dim3A_70 = vector.shape_cast %xor3A_69 : vector<16xi32> to vector<16x1xi32>
      %gather3A_71 = vector.shape_cast %broadcast_in_dim3A_70 : vector<16x1xi32> to vector<16xi32>
      %gather3A_72 = tpu.dynamic_gather %max3A_66[%gather3A_71] in [0] : vector<16xi32>, vector<16xi32> -> vector<16xi32>
      %max3A_73 = arith.maxsi %max3A_66, %gather3A_72 : vector<16xi32>
      %slice3A = vector.extract_strided_slice %max3A_73 {offsets = [0], sizes = [1], strides = [1]} : vector<16xi32> to vector<1xi32>
      %squeeze3A = vector.extract %slice3A[0] : i32 from vector<1xi32>
      %shift_right_arithmetic3A_74 = arith.constant 4 : i32
      %shift_right_arithmetic3A_75 = arith.shrsi %squeeze3A, %shift_right_arithmetic3A_74 : i32
      %shift_left3A_76 = arith.constant 4 : i32
      %shift_left3A_77 = arith.shli %shift_right_arithmetic3A_75, %shift_left3A_76 : i32
      %get3A_78 = arith.index_cast %shift_left3A_77 : i32 to index
      %get3A_79 = tpu.vector_load %arg5[%get3A_78] {strides = array<i32>} : memref<102400xf32, #tpu.memory_space<vmem>>, vector<16xf32>,
      %get3A_80 = vector.shape_cast %get3A_79 : vector<16xf32> to vector<16xf32>
      %and3A_81 = arith.constant 15 : i32
      %and3A_82 = arith.andi %squeeze3A, %and3A_81 : i32
      %eq3A_83 = vector.broadcast %and3A_82 : i32 to vector<16xi32>
      %eq3A_84 = arith.cmpi eq, %iota3A, %eq3A_83 : vector<16xi32>
      %jit3A_85 = arith.constant 1.000000e+00 : f32
      %broadcast_in_dim3A_86 = vector.broadcast %jit3A_85 : f32 to vector<16xf32>
      %select_n3A_87 = arith.select %eq3A_84, %broadcast_in_dim3A_86, %get3A_80 : vector<16xi1>, vector<16xf32>
      %swap3A = arith.index_cast %shift_left3A_77 : i32 to index
      %swap3A_88 = tpu.vector_load %arg5[%swap3A] {strides = array<i32>} : memref<102400xf32, #tpu.memory_space<vmem>>, vector<16xf32>,
      %swap3A_89 = vector.shape_cast %swap3A_88 : vector<16xf32> to vector<16xf32>
      %swap3A_90 = vector.shape_cast %select_n3A_87 : vector<16xf32> to vector<16xf32>
      tpu.vector_store %arg5[%swap3A], %swap3A_90 {strides = array<i32>} : memref<102400xf32, #tpu.memory_space<vmem>>, vector<16xf32>,
    }
    %scan3A_35 = arith.constant 64 : i32
    %mul3A_36 = arith.constant 102400 : i32
    %mul3A_37 = arith.muli %add3A, %mul3A_36 : i32
    "tpu.region"() ({
      %run_scoped3A = tpu.sem_alloc : memref<!tpu.dma_semaphore, #tpu.memory_space<semaphore_mem>>
      %dma_start3A = tpu.memref_slice %arg3[%mul3A_37] : memref<3276800xf32, #tpu.memory_space<hbm>> -> memref<102400xf32, #tpu.memory_space<hbm>>
      %dma_start3A_40 = tpu.memref_slice %arg3[%mul3A_37] : memref<3276800xf32, #tpu.memory_space<hbm>> -> memref<102400xf32, #tpu.memory_space<hbm>>
      tpu.enqueue_dma source(%arg5 : memref<102400xf32, #tpu.memory_space<vmem>>) target(%dma_start3A_40 : memref<102400xf32, #tpu.memory_space<hbm>>) target_semaphore(%run_scoped3A : memref<!tpu.dma_semaphore, #tpu.memory_space<semaphore_mem>>)
      %dma_wait3A = tpu.memref_slice %arg3[%mul3A_37] : memref<3276800xf32, #tpu.memory_space<hbm>> -> memref<102400xf32, #tpu.memory_space<hbm>>
      %dma_wait3A_41 = tpu.memref_slice %arg3[%mul3A_37] : memref<3276800xf32, #tpu.memory_space<hbm>> -> memref<102400xf32, #tpu.memory_space<hbm>>
      tpu.wait_dma2 semaphore(%run_scoped3A : memref<!tpu.dma_semaphore, #tpu.memory_space<semaphore_mem>>) src(%arg5 : memref<102400xf32, #tpu.memory_space<vmem>>) dst(%dma_wait3A_41 : memref<102400xf32, #tpu.memory_space<hbm>>)
      tpu.yield
    }) : () -> ()
    %eq3A = arith.constant 0 : i32
    %eq3A_38 = arith.cmpi eq, %add3A, %eq3A : i32
    %convert_element_type3A = arith.extui %eq3A_38 : i1 to i32
    %cond3A = arith.constant 0 : i32
    %cond3A_39 = arith.cmpi ne, %convert_element_type3A, %cond3A : i32
    scf.if %cond3A_39 {
      "tpu.region"() ({
        %run_scoped3A = tpu.sem_alloc : memref<!tpu.dma_semaphore, #tpu.memory_space<semaphore_mem>>
        tpu.enqueue_dma source(%arg9 : memref<64xi32, #tpu.memory_space<vmem>>) target(%arg4 : memref<64xi32, #tpu.memory_space<hbm>>) target_semaphore(%run_scoped3A : memref<!tpu.dma_semaphore, #tpu.memory_space<semaphore_mem>>)
        tpu.wait_dma2 semaphore(%run_scoped3A : memref<!tpu.dma_semaphore, #tpu.memory_space<semaphore_mem>>) src(%arg9 : memref<64xi32, #tpu.memory_space<vmem>>) dst(%arg4 : memref<64xi32, #tpu.memory_space<hbm>>)
        tpu.yield
      }) : () -> ()
    } else {
    }
    return
  }
}

module attributes {stable_mosaic.version = 14 : i64} {
  func.func @_scores_body(%arg0: i32, %arg1: memref<32x512xf32, #tpu.memory_space<vmem>>, %arg2: memref<512x4096xf32, #tpu.memory_space<vmem>>, %arg3: memref<1x4096xf32, #tpu.memory_space<vmem>>, %arg4: memref<1x4096xf32, #tpu.memory_space<vmem>>, %arg5: memref<1x4096xf32, #tpu.memory_space<vmem>>, %arg6: memref<32x4096xf32, #tpu.memory_space<vmem>>, %arg7: memref<32x4096xf32, #tpu.memory_space<vmem>>) attributes {dimension_semantics = [#tpu.dimension_semantics<arbitrary>], iteration_bounds = array<i64: 25>, scalar_prefetch = 0 : i64, scratch_operands = 0 : i64, tpu.core_type = #tpu.core_type<tc>, window_params = [{pipeline_mode = #tpu.pipeline_mode<synchronous>, transform_indices = @transform_0, window_bounds = array<i64: 32, 512>}, {transform_indices = @transform_1, window_bounds = array<i64: 512, 4096>}, {transform_indices = @transform_2, window_bounds = array<i64: 1, 4096>}, {transform_indices = @transform_3, window_bounds = array<i64: 1, 4096>}, {transform_indices = @transform_4, window_bounds = array<i64: 1, 4096>}, {transform_indices = @transform_5, window_bounds = array<i64: 32, 4096>}, {transform_indices = @transform_6, window_bounds = array<i64: 32, 4096>}]} {
    %get3A = arith.constant 0 : index
    %get3A_0 = arith.constant 0 : index
    %get3A_1 = vector.load %arg1[%get3A, %get3A_0] : memref<32x512xf32, #tpu.memory_space<vmem>>, vector<32x512xf32>
    %get3A_2 = arith.constant 0 : index
    %get3A_3 = arith.constant 0 : index
    %get3A_4 = vector.load %arg2[%get3A_2, %get3A_3] : memref<512x4096xf32, #tpu.memory_space<vmem>>, vector<512x4096xf32>
    %dot_general3A = arith.constant dense<0.000000e+00> : vector<32x4096xf32>
    %dot_general3A_5 = tpu.matmul %get3A_1, %get3A_4, %dot_general3A {dimension_numbers = #tpu.dot_dimension_numbers<[1], [0], [0], [1], [0, 0, 1, 1], [], []>, transpose_lhs_hint = false} : vector<32x512xf32>, vector<512x4096xf32>, vector<32x4096xf32> -> vector<32x4096xf32>
    %get3A_6 = arith.constant 0 : index
    %get3A_7 = arith.constant 0 : index
    %get3A_8 = vector.load %arg3[%get3A_6, %get3A_7] : memref<1x4096xf32, #tpu.memory_space<vmem>>, vector<1x4096xf32>
    %add3A = vector.broadcast %get3A_8 : vector<1x4096xf32> to vector<32x4096xf32>
    %add3A_9 = arith.addf %dot_general3A_5, %add3A : vector<32x4096xf32>
    %get3A_10 = arith.constant 0 : index
    %get3A_11 = arith.constant 0 : index
    %get3A_12 = vector.load %arg4[%get3A_10, %get3A_11] : memref<1x4096xf32, #tpu.memory_space<vmem>>, vector<1x4096xf32>
    %mul3A = arith.constant 3.000000e-01 : f32
    %mul3A_13 = vector.broadcast %mul3A : f32 to vector<1x4096xf32>
    %mul3A_14 = arith.mulf %get3A_12, %mul3A_13 : vector<1x4096xf32>
    %add3A_15 = vector.broadcast %mul3A_14 : vector<1x4096xf32> to vector<32x4096xf32>
    %add3A_16 = arith.addf %add3A_9, %add3A_15 : vector<32x4096xf32>
    %get3A_17 = arith.constant 0 : index
    %get3A_18 = arith.constant 0 : index
    %get3A_19 = vector.load %arg5[%get3A_17, %get3A_18] : memref<1x4096xf32, #tpu.memory_space<vmem>>, vector<1x4096xf32>
    %add3A_20 = arith.constant 9.99999997E-7 : f32
    %add3A_21 = vector.broadcast %add3A_20 : f32 to vector<1x4096xf32>
    %add3A_22 = arith.addf %get3A_19, %add3A_21 : vector<1x4096xf32>
    %div3A = arith.constant 1.000000e+00 : f32
    %div3A_23 = vector.broadcast %div3A : f32 to vector<1x4096xf32>
    %div3A_24 = arith.divf %div3A_23, %add3A_22 : vector<1x4096xf32>
    %mul3A_25 = arith.constant 1.000000e-01 : f32
    %mul3A_26 = vector.broadcast %mul3A_25 : f32 to vector<1x4096xf32>
    %mul3A_27 = arith.mulf %div3A_24, %mul3A_26 : vector<1x4096xf32>
    %add3A_28 = vector.broadcast %mul3A_27 : vector<1x4096xf32> to vector<32x4096xf32>
    %add3A_29 = arith.addf %add3A_16, %add3A_28 : vector<32x4096xf32>
    %mul3A_30 = arith.constant 4096 : i32
    %mul3A_31 = arith.muli %arg0, %mul3A_30 : i32
    %iota3A = tpu.iota {dimensions = array<i32: 1>} : vector<32x4096xi32>
    %add3A_32 = vector.broadcast %mul3A_31 : i32 to vector<32x4096xi32>
    %add3A_33 = arith.addi %add3A_32, %iota3A : vector<32x4096xi32>
    %lt3A = arith.constant 100000 : i32
    %lt3A_34 = vector.broadcast %lt3A : i32 to vector<32x4096xi32>
    %lt3A_35 = arith.cmpi slt, %add3A_33, %lt3A_34 : vector<32x4096xi32>
    %jit3A = arith.constant 0xFF800000 : f32
    %broadcast_in_dim3A = vector.broadcast %jit3A : f32 to vector<32x4096xf32>
    %select_n3A = arith.select %lt3A_35, %add3A_29, %broadcast_in_dim3A : vector<32x4096xi1>, vector<32x4096xf32>
    %swap3A = arith.constant 0 : index
    %swap3A_36 = arith.constant 0 : index
    %swap3A_37 = vector.load %arg6[%swap3A, %swap3A_36] : memref<32x4096xf32, #tpu.memory_space<vmem>>, vector<32x4096xf32>
    tpu.vector_store %arg6[%swap3A, %swap3A_36], %select_n3A {strides = array<i32>} : memref<32x4096xf32, #tpu.memory_space<vmem>>, vector<32x4096xf32>,
    %swap3A_38 = arith.constant 0 : index
    %swap3A_39 = arith.constant 0 : index
    %swap3A_40 = vector.load %arg7[%swap3A_38, %swap3A_39] : memref<32x4096xf32, #tpu.memory_space<vmem>>, vector<32x4096xf32>
    tpu.vector_store %arg7[%swap3A_38, %swap3A_39], %add3A_29 {strides = array<i32>} : memref<32x4096xf32, #tpu.memory_space<vmem>>, vector<32x4096xf32>,
    return
  }
  func.func @transform_0(%arg0: i32) -> (i32, i32) {
    %c0_i32 = arith.constant 0 : i32
    %c0_i32_0 = arith.constant 0 : i32
    %c0_i32_1 = arith.constant 0 : i32
    return %c0_i32, %c0_i32_0 : i32, i32
  }
  func.func @transform_1(%arg0: i32) -> (i32, i32) {
    %c0_i32 = arith.constant 0 : i32
    %c0_i32_0 = arith.constant 0 : i32
    return %c0_i32, %arg0 : i32, i32
  }
  func.func @transform_2(%arg0: i32) -> (i32, i32) {
    %c0_i32 = arith.constant 0 : i32
    %c0_i32_0 = arith.constant 0 : i32
    return %c0_i32, %arg0 : i32, i32
  }
  func.func @transform_3(%arg0: i32) -> (i32, i32) {
    %c0_i32 = arith.constant 0 : i32
    %c0_i32_0 = arith.constant 0 : i32
    return %c0_i32, %arg0 : i32, i32
  }
  func.func @transform_4(%arg0: i32) -> (i32, i32) {
    %c0_i32 = arith.constant 0 : i32
    %c0_i32_0 = arith.constant 0 : i32
    return %c0_i32, %arg0 : i32, i32
  }
  func.func @transform_5(%arg0: i32) -> (i32, i32) {
    %c0_i32 = arith.constant 0 : i32
    %c0_i32_0 = arith.constant 0 : i32
    return %c0_i32, %arg0 : i32, i32
  }
  func.func @transform_6(%arg0: i32) -> (i32, i32) {
    %c0_i32 = arith.constant 0 : i32
    %c0_i32_0 = arith.constant 0 : i32
    return %c0_i32, %arg0 : i32, i32
  }
}

</mosaic_0001>

<sc_bundles>
// kernel: kernel.4.cloned.1.call-start
scs
__scs_entry_jumppad:
0x0: {  	(pc) =	sbr.rel $0x88, $3  }
0x1: {  	(tag) =	ssettag $0x0;
	lr =	simm.s32 $0x1  }
0x2: {  	[smem:$0x3F98] =	sst lr;
	_ =	strace $0xD0000000  }
0x3: {  	_ = 	snop  }
0x4: {  	_ = 	snop  }
0x5: {  	_ = 	snop  }
0x6: {  	_ = 	snop  }
0x7: {  	_ = 	snop  }
__scs_overlays_trampoline_lowered:
0x8: {  	[smem:$0x3FA7] =	sst s0  }
0x9: {  	[smem:$0x3FA8] =	sst s1  }
0xa: {  	[smem:$0x3FA9] =	sst s2  }
0xb: {  	[smem:$0x3FAA] =	sst s3  }
0xc: {  	[smem:$0x3FAB] =	sst s4  }
0xd: {  	[smem:$0x3FAC] =	sst s5  }
0xe: {  	[smem:$0x3FAD] =	sst s6  }
0xf: {  	[smem:$0x3FAE] =	sst s7  }
0x10: {  	[smem:$0x3FAF] =	sst s8  }
0x11: {  	[smem:$0x3FB0] =	sst s9;
	s0 =	simm.s32 @!p0 $0x0  }
0x12: {  	s1 =	sld [smem:$0x3F96];
	s0 =	simm.s32 @p0 $0x1  }
0x13: {  	[smem:$0x3FB1] =	sst s0;
	s0 =	simm.s32 @!p1 $0x0  }
0x14: {  	s2 =	sld [smem:$0x3F95];
	s0 =	simm.s32 @p1 $0x1  }
0x15: {  	[smem:$0x3FB2] =	sst s0;
	s0 =	simm.s32 @!p2 $0x0  }
0x16: {  	s3 =	sld [smem:$0x3FDB];
	s0 =	simm.s32 @p2 $0x1  }
0x17: {  	s4 =	simm.s32 $0x1BF5;
	[smem:$0x3FB4] =	sst s0  }
0x18: {  	s0 =	sld [smem:$0x3F97];
	_ =	swait.ge [sflag:s4], $0x0  }
0x19: {  	s7 =	sld [smem:$0x3F98]  }
0x1a: {  	s8 =	sadd.s32 $0xFFFFE003, lr  }
0x1b: {  	s9 =	sadd.s32 $0xFFFFFEF7, lr;
	s5 =	simm.s32 $0xFFFFFFFF;
	p2 =	slt.u32 s8, $0xFFFFF086  }
0x1c: {  	p1 =	slt.u32 s9, $0xF7A;
	s5 =	simm.s32 @!p2 $0x0  }
0x1d: {  	s5 =	simm.s32 @p1 $0x1;
	p0 =	seq.s32 s7, s2  }
0x1e: {  	s7 =	smul.u32 @!p0 $0xF7A, s2;
	p2 =	seq.s32 @!p0 s5, $0x0  }
0x1f: {  	s9 =	smul.u32 $0xF7A, s1;
	s8 =	simm.s32 @!p0 $0x1BF5;
	p2 =	por !p2, p0  }
0x20: {  	[sflag:s8] =	ssyncset.s32 @!p0 $0xFFFFF086;
	s6 =	sadd.s32 @!p0 s3, s7;
	s7 =	simm.s32 @!p0 $0x108  }
0x21: {  	s3 =	sadd.s32 s3, s9;
	s6 =	sadd.s32 @!p0 $0x88, s6;
	s7 =	simm.s32 @p2 $0x1082  }
0x22: {  	[simem:s7], [sflag:s8] =	dma.local @!p0 [hbm:s6], $0xF7A  }
0x23: {  	s9 =	sor.u32 $0xD0000000, s2;
	s6 =	simm.s32 $0x108;
	_ =	swait.ge @!p0 [sflag:s8], $0x0  }
0x24: {  	s3 =	sadd.s32 $0x88, s3;
	s6 =	simm.s32 @!p1 $0x1082;
	[sflag:s4] =	ssyncset.s32 $0xFFFFF086  }
0x25: {  	[simem:s6], [sflag:s4] =	dma.local [hbm:s3], $0xF7A  }
0x26: {  	[smem:$0x3F98] =	sst s1;
	(tag) =	ssettag s2;
	_ =	strace s9  }
0x27: {  	s1 =	sld [smem:$0x3FA8]  }
0x28: {  	s2 =	sld [smem:$0x3FA9]  }
0x29: {  	s4 =	sld [smem:$0x3FAB]  }
0x2a: {  	p0 =	seq.s32 s5, $0x0;
	s5 =	sld [smem:$0x3FAC]  }
0x2b: {  	s6 =	sld [smem:$0x3FAD]  }
0x2c: {  	s7 =	sld [smem:$0x3FAE]  }
0x2d: {  	s3 =	simm.s32 $0x108;
	s8 =	sld [smem:$0x3FAF]  }
0x2e: {  	s3 =	simm.s32 @!p0 $0x1082;
	s9 =	sld [smem:$0x3FB0]  }
0x2f: {  	lr =	sadd.s32 s0, s3;
	s0 =	sld [smem:$0x3FA7]  }
0x30: {  	s3 =	sld [smem:$0x3FAA]  }
0x31: {  	[smem:$0x3FB3] =	sst s10  }
0x32: {  	s10 =	sld [smem:$0x3FB1];
	_ =	sdelay $0x3  }
0x33: {  	p0 =	seq.s32 s10, $0x1;
	s10 =	sld [smem:$0x3FB3];
	_ =	sdelay $0x3  }
0x34: {  	[smem:$0x3FB3] =	sst s10  }
0x35: {  	s10 =	sld [smem:$0x3FB2];
	_ =	sdelay $0x3  }
0x36: {  	p1 =	seq.s32 s10, $0x1;
	s10 =	sld [smem:$0x3FB3];
	_ =	sdelay $0x3  }
0x37: {  	[smem:$0x3FB3] =	sst s10  }
0x38: {  	s10 =	sld [smem:$0x3FB4]  }
0x39: {  	_ = 	snop;
	(pc) =	sbr.ind lr, $3  }
0x3a: {  	_ = 	snop  }
0x3b: {  	_ = 	snop  }
0x3c: {  	p2 =	seq.s32 s10, $0x1;
	s10 =	sld [smem:$0x3FB3]  }
0x3d: {  	_ =	shalt  }
0x3e: {  	_ =	shalt  }
0x3f: {  	_ =	shalt  }
0x40: {  	_ =	shalt  }
0x41: {  	_ =	shalt  }
0x42: {  	_ =	shalt  }
0x43: {  	_ =	shalt  }
0x44: {  	_ =	shalt  }
0x45: {  	_ =	shalt  }
0x46: {  	_ =	shalt  }
0x47: {  	_ =	shalt  }
0x48: {  	_ =	shalt  }
0x49: {  	_ =	shalt  }
0x4a: {  	_ =	shalt  }
0x4b: {  	_ =	shalt  }
0x4c: {  	_ =	shalt  }
0x4d: {  	_ =	shalt  }
0x4e: {  	_ =	shalt  }
0x4f: {  	_ =	shalt  }
0x50: {  	_ =	shalt  }
0x51: {  	_ =	shalt  }
0x52: {  	_ =	shalt  }
0x53: {  	_ =	shalt  }
0x54: {  	_ =	shalt  }
0x55: {  	_ =	shalt  }
0x56: {  	_ =	shalt  }
0x57: {  	_ =	shalt  }
0x58: {  	_ =	shalt  }
0x59: {  	_ =	shalt  }
0x5a: {  	_ =	shalt  }
0x5b: {  	_ =	shalt  }
0x5c: {  	_ =	shalt  }
0x5d: {  	_ =	shalt  }
0x5e: {  	_ =	shalt  }
0x5f: {  	_ =	shalt  }
0x60: {  	_ =	shalt  }
0x61: {  	_ =	shalt  }
0x62: {  	_ =	shalt  }
0x63: {  	_ =	shalt  }
0x64: {  	_ =	shalt  }
0x65: {  	_ =	shalt  }
0x66: {  	_ =	shalt  }
0x67: {  	_ =	shalt  }
0x68: {  	_ =	shalt  }
0x69: {  	_ =	shalt  }
0x6a: {  	_ =	shalt  }
0x6b: {  	_ =	shalt  }
0x6c: {  	_ =	shalt  }
0x6d: {  	_ =	shalt  }
0x6e: {  	_ =	shalt  }
0x6f: {  	_ =	shalt  }
0x70: {  	_ =	shalt  }
0x71: {  	_ =	shalt  }
0x72: {  	_ =	shalt  }
0x73: {  	_ =	shalt  }
0x74: {  	_ =	shalt  }
0x75: {  	_ =	shalt  }
0x76: {  	_ =	shalt  }
0x77: {  	_ =	shalt  }
0x78: {  	_ =	shalt  }
0x79: {  	_ =	shalt  }
0x7a: {  	_ =	shalt  }
0x7b: {  	_ =	shalt  }
0x7c: {  	_ =	shalt  }
0x7d: {  	_ =	shalt  }
0x7e: {  	_ =	shalt  }
0x7f: {  	_ =	shalt  }
0x80: {  	_ =	shalt  }
0x81: {  	_ =	shalt  }
0x82: {  	_ =	shalt  }
0x83: {  	_ =	shalt  }
0x84: {  	_ =	shalt  }
0x85: {  	_ =	shalt  }
0x86: {  	_ =	shalt  }
0x87: {  	_ =	shalt  }
.Lfunc_end0:
.L_simem_size_0:
called_computation_lowered:
.L_overlay_start_0:
0x88: {  	s2 =	sld [smem:$0x3FD9]  }
0x89: {  	s3 =	sld [smem:$0x3FFE];
	_ =	sdelay $0x1  }
0x8a: {  	s1 =	srdreg.scid  }
0x8b: {  	s0 =	sand.u32 $0x1, s1  }
0x8c: {  	s14 =	sshll.u32 s0, $0xA;
	s2 =	sadd.s32 s3, s2  }
0x8d: {  	s2 =	sadd.s32 s2, s14  }
0x8e: {  	[smem:$0x3FBF] =	sst s2  }
0x8f: {  	_ = 	snop  }
0x90: {  	s2 =	sld [smem:$0x3FD0];
	_ =	sdelay $0x2  }
0x91: {  	s15 =	simm.s32 $0xA;
	s4 =	simm.s32 $0x10  }
0x92: {  	[smem:s4], [sflag:s15] =	dma.local [hbm:s2], $0x1  }
0x93: {  	_ =	swait.eq [sflag:s15], $0x1  }
0x94: {  	[sflag:s15] =	ssyncset.done $0x0  }
0x95: {  	[sflag:s15] =	ssyncadd.s32 $0xFFFFFFFF  }
0x96: {  	s16 =	sld [smem:$0x11];
	(tm) =	ssettm $0x1  }
0x97: {  	s17 =	sld [smem:$0x3FFB];
	_ =	sdelay $0x3  }
0x98: {  	_ =	strace s17  }
0x99: {  	s3 =	sld [smem:$0x3FFC];
	_ =	sdelay $0x3  }
0x9a: {  	_ =	strace s3  }
0x9b: {  	s3 =	sld [smem:$0x3FFD];
	_ =	sdelay $0x3  }
0x9c: {  	_ =	strace s3  }
0x9d: {  	_ =	strace $0x8FFFFFFF  }
0x9e: {  	s18 =	sld [smem:$0x3FDB];
	_ =	sdelay $0x1  }
0x9f: {  	s19 =	simm.s32 $_scs_section_size  }
0xa0: {  	s5 =	simm.s32 $_size__tile_overlayer_lowered;
	s6 =	simm.s32 $_tile_overlayer_lowered  }
0xa1: {  	s22 =	simm.s32 $0x1BFF;
	s21 =	sshll.u32 s6, $0x1;
	s3 =	sadd.s32 s19, s18  }
0xa2: {  	s7 =	simm.s32 $0x0;
	s20 =	sshll.u32 s5, $0x1;
	s5 =	sadd.s32 s21, s3  }
0xa3: {  	[timem:s7], [sflag:s22] =	dma.local [hbm:s5], s20  }
0xa4: {  	_ =	swait.ge [sflag:s22], s20  }
0xa5: {  	s4 =	ssub.s32 $0x0, s20;
	[sflag:s22] =	ssyncset.done $0x0  }
0xa6: {  	[sflag:s22] =	ssyncadd.s32 s4;
	_ =	sdelay $0x1  }
0xa7: {  	s23 =	simm.s32 $0x1B8B  }
0xa8: {  	_ =	swait.ge [sflag:s23], $0x1  }
0xa9: {  	[sflag:s23] =	ssyncset.done $0x0  }
0xaa: {  	s25 =	simm.s32 $0x1B8E;
	s24 =	sld [smem:$0x3FFE];
	[sflag:s23] =	ssyncadd.s32 $0xFFFFFFFF  }
0xab: {  	s26 =	simm.s32 $execute0_lowered;
	[smem:$0x3FD2] =	sst s25  }
0xac: {  	s5 =	sshll.u32 s26, $0x1;
	_ =	strace $0x80000046;
	[dreg:$0x1] =	wrdreg $0xFFFFFFFF  }
0xad: {  	s28 =	simm.s32 $_size_execute0_lowered;
	s3 =	sadd.s32 s3, s5;
	[dreg:$0x0] =	wrdreg $0x0  }
0xae: {  	s5 =	sshll.u32 s28, $0x1;
	[dreg:$0x2] =	wrdreg s3  }
0xaf: {  	[dreg:$0x3] =	wrdreg s5  }
0xb0: {  	[dreg:$0x4] =	wrdreg $0xC0  }
0xb1: {  	_ =	task [dreg:s7], $0x5FFFF  }
0xb2: {  	[dreg:$0x1] =	wrdreg $0xFFFFFFFF  }
0xb3: {  	[dreg:$0x0] =	wrdreg $0x60  }
0xb4: {  	[dreg:$0x2] =	wrdreg s24  }
0xb5: {  	[dreg:$0x3] =	wrdreg s16  }
0xb6: {  	[dreg:$0x4] =	wrdreg $0x9  }
0xb7: {  	_ =	task.clear_ibuf [dreg:s7], $0x5FFFF;
	_ =	strace $0x90000046  }
0xb8: {  	s29 =	simm.s32 $0x9;
	_ =	strace $0x80000048  }
0xb9: {  	_ =	swait.ge [sflag:s29], $0x1  }
0xba: {  	[sflag:s29] =	ssyncadd.s32 $0xFFFFFFFF  }
0xbb: {  	_ =	strace $0x90000048  }
0xbc: {  	_ =	sfence  }
0xbd: {  	s30 =	sld [smem:$0x0];
	_ =	sdelay $0x2  }
0xbe: {  	s31 =	sshll.u32 s1, $0xD;
	s1 =	sshrl.u32 s1, $0x2  }
0xbf: {  	s3 =	sand.u32 $0x4000, s31;
	s1 =	sadd.s32 s1, s30  }
0xc0: {  	s0 =	sor.u32 s3, s0;
	s1 =	sshll.u32 s1, $0x11  }
0xc1: {  	s0 =	sor.u32 s1, s0  }
0xc2: {  	s0 =	sadd.s32 $0x8F2B, s0  }
0xc3: {  	[sflag:s0] =	ssyncadd.remote.s32 $0x1  }
0xc4: {  	_ =	sfence.sel $0xFFFF  }
0xc5: {  	[dreg:$0x0] =	wrdreg $0xFFFFFFFF;
	(pc) =	sbr.abs _section_cstart, $3  }
0xc6: {  	[dreg:$0x1] =	wrdreg $0xFFFFFFFF  }
0xc7: {  	_ =	task.clear_ibuf [dreg:s7], $0x2FFFF;
	_ =	strace $0x9FFFFFFF  }
0xc8: {  	(tm) =	ssettm $0x7FFFFFFF  }
0xc9: {  	_ =	shalt  }
tec
execute0_lowered:
.L_overlay_start_1:
0x0: {  	(tag) =	ssettag $0x1  }
0x1: {  	v0 =	vimm.s32 $0x76543210;
	v1 =	vimm.s32 $0xFEDCBA98  }
0x2: {  	v2 =	vimm.s32 $0xBA98FEDC;
	v3 =	vimm.s32 $0x32107654;
	v4 =	vimm.s32 $0xDCFE98BA  }
0x3: {  	v5 =	vimm.s32 $0x54761032;
	v6 =	vimm.s32 $0xEFCDAB89;
	v7 =	vimm.s32 $0x67452301  }
0x4: {  	s4 =	rddreg [dreg:$0x0];
	v0 =	vunpack.c.l.s4.s8 v0;
	v1 =	vunpack.c.l.s4.s8 v1;
	v2 =	vunpack.c.l.s4.s8 v2  }
0x5: {  	s1 =	srdreg.scid;
	s0 =	stileid.u32;
	v3 =	vunpack.c.l.s4.s8 v3;
	v4 =	vunpack.c.l.s4.s8 v4;
	v5 =	vunpack.c.l.s4.s8 v5  }
0x6: {  	s2 =	rddreg [dreg:$0x1];
	s5 =	sand.u32 $0x1, s1;
	s3 =	sshll.u32 s0, $0x1;
	v6 =	vunpack.c.l.s4.s8 v6;
	v7 =	vunpack.c.l.s4.s8 v7;
	v2 =	vunpack.c.0.s8.s32 v2  }
0x7: {  	s1 =	rddreg [dreg:$0x2];
	s8 =	sor.u32 s5, s3;
	v3 =	vunpack.c.0.s8.s32 v3;
	v4 =	vunpack.c.0.s8.s32 v4;
	v5 =	vunpack.c.0.s8.s32 v5  }
0x8: {  	s3 =	simm.s32 $0x0;
	s5 =	ssub.s32 $0x2, s5;
	s6 =	smul.u32 $0x3200, s8;
	v8 =	vunpack.c.0.s8.s32 v1;
	v6 =	vunpack.c.0.s8.s32 v6;
	v7 =	vunpack.c.0.s8.s32 v7  }
0x9: {  	[smem:$0x7FF] =	sst s3;
	s7 =	sshrl.u32 s5, $0x1;
	v9 =	vunpack.c.0.s8.s32 v0;
	v0 =	vcombine.low v3, v2  }
0xa: {  	p0 =	sne.s32 s8, $0x0;
	s8 =	simm.s32 $0x0;
	v1 =	vcombine.low v5, v4;
	s6 =	sadd.s32 s6, s4;
	v3 =	vand.u32 $0xF, v8;
	v2 =	vcombine.low v7, v6  }
0xb: {  	_ =	strace $0x80000047;
	s7 =	ssub.s32 s5, s7;
	v7 =	vlaneseq.u32;
	v8 =	vimm.f32 $0.0e+00;
	s4 =	sadd.s32 $0xA00, s6;
	v3 =	vcombine.low v3, v9  }
0xc: {  	s5 =	sadd.s32 $0x64A00, s6;
	s6 =	smax.u32 s7, $0x1;
	s7 =	simm.s32 $0x1;
	v4 =	vand.u32 $0xF, v0;
	v5 =	vand.u32 $0xF, v1;
	v6 =	vand.u32 $0xF, v2  }
.LBB2_1:
0xd: {  	[tilespmem:s3], [sflag:$0x1] =	stream.linear.gather [hbm4b:s4+s3], $0x19000, $0x38;
	[tilespmem:$0x1AD80] =	vst v63  }
0xe: {  	_ =	swait.ge [sflag:s7], $0x19000  }
0xf: {  	[sflag:s7] =	ssyncset.done $0x0  }
0x10: {  	s10 =	simm.s32 $0x80;
	[sflag:s7] =	ssyncadd.s32 $0xFFFE7000  }
0x11: {  	v9 =	vld [tilespmem:s10+$0xFFFFFF90]  }
0x12: {  	s11 =	simm.s32 $0x40;
	s9 =	simm.s32 $0x0;
	v10 =	vld [tilespmem:s10+$0xFFFFFF80]  }
.LBB2_2:
0x13: {  	p1 =	sne.s32 s11, $0x63C0;
	v11 =	vld [tilespmem:s10+$0xFFFFFFA0]  }
0x14: {  	v12 =	vld [tilespmem:s10+$0xFFFFFFB0]  }
0x15: {  	v13 =	vld [tilespmem:s10+$0xFFFFFFC0]  }
0x16: {  	v14 =	vld [tilespmem:s10+$0xFFFFFFD0]  }
0x17: {  	v9 =	vmax.f32 v10, v9;
	v10 =	vld [tilespmem:s10+$0xFFFFFFE0]  }
0x18: {  	v9 =	vmax.f32 v9, v11;
	v11 =	vld [tilespmem:s10+$0xFFFFFFF0]  }
0x19: {  	v9 =	vmax.f32 v9, v12;
	v12 =	vld [tilespmem:s10+$0x0]  }
0x1a: {  	v9 =	vmax.f32 v9, v13;
	v13 =	vld [tilespmem:s10+$0x10]  }
0x1b: {  	v9 =	vmax.f32 v9, v14;
	v14 =	vld [tilespmem:s10+$0x20]  }
0x1c: {  	v9 =	vmax.f32 v9, v10;
	v10 =	vld [tilespmem:s10+$0x30]  }
0x1d: {  	v9 =	vmax.f32 v9, v11;
	v11 =	vld [tilespmem:s10+$0x40]  }
0x1e: {  	v9 =	vmax.f32 v9, v12;
	v12 =	vld [tilespmem:s10+$0x50]  }
0x1f: {  	v9 =	vmax.f32 v9, v13;
	v13 =	vld [tilespmem:s10+$0x60]  }
0x20: {  	v9 =	vmax.f32 v9, v14;
	v14 =	vld [tilespmem:s10+$0x70]  }
0x21: {  	v9 =	vmax.f32 v9, v10  }
0x22: {  	v9 =	vmax.f32 v9, v11  }
0x23: {  	v9 =	vmax.f32 v9, v12  }
.Ltmp0:
0x24: {  	v9 =	vmax.f32 v9, v13;
	(pc) =	sbr.rel @p1 .LBB2_2-.Ltmp0, $4  }
0x25: {  	s12 =	sshra.s32 s9, $0x2;
	s9 =	smov.u32 s11;
	v9 =	vmax.f32 v9, v14  }
0x26: {  	s10 =	sadd.s32 $0x100, s10;
	[tilespmem:s12+$0x19000] =	vst v9  }
0x27: {  	v9 =	vld [tilespmem:s10+$0xFFFFFF90]  }
0x28: {  	s11 =	sadd.s32 $0x40, s11;
	v10 =	vld [tilespmem:s10+$0xFFFFFF80]  }
0x29: {  	v11 =	vld [tilespmem:s10+$0xFFFFFFA0]  }
0x2a: {  	v12 =	vld [tilespmem:s10+$0xFFFFFFB0]  }
0x2b: {  	v13 =	vld [tilespmem:s10+$0xFFFFFFC0]  }
0x2c: {  	v14 =	vld [tilespmem:s10+$0xFFFFFFD0]  }
0x2d: {  	v9 =	vmax.f32 v10, v9;
	v10 =	vld [tilespmem:s10+$0xFFFFFFE0]  }
0x2e: {  	v9 =	vmax.f32 v9, v11;
	v11 =	vld [tilespmem:s10+$0xFFFFFFF0]  }
0x2f: {  	v52 =	vld [tilespmem:s10+$0x0];
	v9 =	vmax.f32 v9, v12  }
0x30: {  	v53 =	vld [tilespmem:s10+$0x10];
	v9 =	vmax.f32 v9, v13  }
0x31: {  	v54 =	vld [tilespmem:s10+$0x20];
	v9 =	vmax.f32 v9, v14  }
0x32: {  	v9 =	vmax.f32 v9, v10;
	v10 =	vld [tilespmem:s10+$0x30]  }
0x33: {  	v9 =	vmax.f32 v9, v11;
	v11 =	vld [tilespmem:s10+$0x40]  }
0x34: {  	v55 =	vld [tilespmem:s10+$0x50];
	v9 =	vmax.f32 v9, v52  }
0x35: {  	v56 =	vld [tilespmem:s10+$0x60];
	v9 =	vmax.f32 v9, v53  }
0x36: {  	v57 =	vld [tilespmem:s10+$0x70];
	v9 =	vmax.f32 v9, v54  }
0x37: {  	v9 =	vmax.f32 v9, v10  }
0x38: {  	v9 =	vmax.f32 v9, v11  }
0x39: {  	v9 =	vmax.f32 v9, v55  }
0x3a: {  	v9 =	vmax.f32 v9, v56  }
0x3b: {  	s9 =	sshra.s32 s9, $0x2;
	v9 =	vmax.f32 v9, v57  }
0x3c: {  	s10 =	simm.s32 $0x19080;
	[tilespmem:s9+$0x19000] =	vst v9  }
0x3d: {  	v9 =	vld [tilespmem:s10+$0xFFFFFF80]  }
0x3e: {  	v10 =	vld [tilespmem:s10+$0xFFFFFF90];
	_ =	sdelay $0x1  }
0x3f: {  	v11 =	vld [tilespmem:s10+$0xFFFFFFA0];
	_ =	sdelay $0x1  }
0x40: {  	v58 =	vld [tilespmem:s10+$0xFFFFFFB0]  }
0x41: {  	vm0 =	vgt.f32 v10, v9  }
0x42: {  	v9 =	vsel vm0, v10, v9;
	v10 =	vld [tilespmem:s10+$0xFFFFFFC0]  }
0x43: {  	vm1 =	vgt.f32 v11, v9  }
0x44: {  	v9 =	vsel vm1, v11, v9;
	v11 =	vld [tilespmem:s10+$0xFFFFFFD0]  }
0x45: {  	vm2 =	vgt.f32 v58, v9  }
0x46: {  	v59 =	vld [tilespmem:s10+$0xFFFFFFE0];
	v9 =	vsel vm2, v58, v9  }
0x47: {  	vm3 =	vgt.f32 v10, v9  }
0x48: {  	v9 =	vsel vm3, v10, v9;
	v10 =	vld [tilespmem:s10+$0xFFFFFFF0]  }
0x49: {  	vm4 =	vgt.f32 v11, v9  }
0x4a: {  	v9 =	vsel vm4, v11, v9;
	v11 =	vld [tilespmem:s10+$0x0]  }
0x4b: {  	vm5 =	vgt.f32 v59, v9  }
0x4c: {  	v60 =	vld [tilespmem:s10+$0x10];
	v9 =	vsel vm5, v59, v9  }
0x4d: {  	vm6 =	vgt.f32 v10, v9  }
0x4e: {  	v9 =	vsel vm6, v10, v9;
	v10 =	vld [tilespmem:s10+$0x20]  }
0x4f: {  	s16 =	simm.s32 $0x0;
	vm7 =	vgt.f32 v11, v9  }
0x50: {  	s17 =	simm.s32 $0x1;
	v61 =	vmov s16;
	v9 =	vsel vm7, v11, v9;
	v11 =	vld [tilespmem:s10+$0x30]  }
0x51: {  	s18 =	simm.s32 $0x2;
	v13 =	vsel vm0, s17, v61;
	vm9 =	vgt.f32 v60, v9  }
0x52: {  	s19 =	simm.s32 $0x3;
	v62 =	vld [tilespmem:s10+$0x40];
	v13 =	vsel vm1, s18, v13;
	v9 =	vsel vm9, v60, v9  }
0x53: {  	s20 =	simm.s32 $0x4;
	v13 =	vsel vm2, s19, v13;
	vm10 =	vgt.f32 v10, v9  }
0x54: {  	s21 =	simm.s32 $0x5;
	v13 =	vsel vm3, s20, v13;
	v9 =	vsel vm10, v10, v9;
	v10 =	vld [tilespmem:s10+$0x50]  }
0x55: {  	s22 =	simm.s32 $0x6;
	v13 =	vsel vm4, s21, v13;
	vm11 =	vgt.f32 v11, v9  }
0x56: {  	s23 =	simm.s32 $0x7;
	v13 =	vsel vm5, s22, v13;
	v9 =	vsel vm11, v11, v9;
	v11 =	vld [tilespmem:s10+$0x60]  }
0x57: {  	s24 =	simm.s32 $0x8;
	v13 =	vsel vm6, s23, v13;
	vm12 =	vgt.f32 v62, v9  }
0x58: {  	s25 =	simm.s32 $0x9;
	v63 =	vld [tilespmem:s10+$0x70];
	v13 =	vsel vm7, s24, v13;
	v9 =	vsel vm12, v62, v9  }
0x59: {  	s26 =	simm.s32 $0xA;
	v13 =	vsel vm9, s25, v13;
	vm13 =	vgt.f32 v10, v9  }
0x5a: {  	s28 =	simm.s32 $0xB;
	v13 =	vsel vm10, s26, v13;
	v9 =	vsel vm13, v10, v9  }
0x5b: {  	s29 =	simm.s32 $0xC;
	v10 =	vsel vm11, s28, v13;
	vm14 =	vgt.f32 v11, v9  }
0x5c: {  	s30 =	simm.s32 $0xD;
	v10 =	vsel vm12, s29, v10;
	v9 =	vsel vm14, v11, v9  }
0x5d: {  	s31 =	simm.s32 $0xE;
	v10 =	vsel vm13, s30, v10;
	vm15 =	vgt.f32 v63, v9  }
0x5e: {  	s14 =	simm.s32 $0xF;
	s11 =	simm.s32 $0x1A900;
	v10 =	vsel vm14, s31, v10;
	v11 =	vsel vm15, v63, v9  }
0x5f: {  	s12 =	simm.s32 $0x1AB00;
	s13 =	simm.s32 $0x1F;
	v9 =	vsel vm15, s14, v10;
	[tilespmem:s11+$0x0] =	vst v11  }
.LBB2_4:
0x60: {  	[tilespmem:s12+$0x0] =	vst v9;
	s11 =	sadd.s32 $0x10, s11;
	s12 =	sadd.s32 $0x10, s12;
	s10 =	sadd.s32 $0x100, s10  }
0x61: {  	p1 =	sne.s32 s13, $0x18F;
	s9 =	smov.u32 s13;
	s13 =	sadd.s32 $0x10, s13;
	v9 =	vld [tilespmem:s10+$0xFFFFFF80]  }
0x62: {  	v10 =	vld [tilespmem:s10+$0xFFFFFF90];
	_ =	sdelay $0x1  }
0x63: {  	v11 =	vld [tilespmem:s10+$0xFFFFFFA0];
	_ =	sdelay $0x1  }
0x64: {  	v12 =	vld [tilespmem:s10+$0xFFFFFFB0]  }
0x65: {  	vm0 =	vgt.f32 v10, v9  }
0x66: {  	v9 =	vsel vm0, v10, v9;
	v10 =	vld [tilespmem:s10+$0xFFFFFFC0]  }
0x67: {  	vm1 =	vgt.f32 v11, v9  }
0x68: {  	v9 =	vsel vm1, v11, v9;
	v11 =	vld [tilespmem:s10+$0xFFFFFFD0]  }
0x69: {  	vm2 =	vgt.f32 v12, v9  }
0x6a: {  	v9 =	vsel vm2, v12, v9;
	v12 =	vld [tilespmem:s10+$0xFFFFFFE0]  }
0x6b: {  	vm3 =	vgt.f32 v10, v9  }
0x6c: {  	v9 =	vsel vm3, v10, v9;
	v10 =	vld [tilespmem:s10+$0xFFFFFFF0]  }
0x6d: {  	vm4 =	vgt.f32 v11, v9  }
0x6e: {  	v9 =	vsel vm4, v11, v9;
	v11 =	vld [tilespmem:s10+$0x0]  }
0x6f: {  	vm5 =	vgt.f32 v12, v9  }
0x70: {  	v9 =	vsel vm5, v12, v9;
	v12 =	vld [tilespmem:s10+$0x10]  }
0x71: {  	vm6 =	vgt.f32 v10, v9  }
0x72: {  	v9 =	vsel vm6, v10, v9;
	v10 =	vld [tilespmem:s10+$0x20]  }
0x73: {  	s14 =	sadd.s32 $0xFFFFFFF1, s9;
	vm7 =	vgt.f32 v11, v9  }
0x74: {  	v13 =	vmov s14;
	s14 =	sadd.s32 $0xFFFFFFF2, s9;
	v9 =	vsel vm7, v11, v9;
	v11 =	vld [tilespmem:s10+$0x30]  }
0x75: {  	v13 =	vsel vm0, s14, v13;
	s14 =	sadd.s32 $0xFFFFFFF3, s9;
	vm0 =	vgt.f32 v12, v9  }
0x76: {  	v13 =	vsel vm1, s14, v13;
	s14 =	sadd.s32 $0xFFFFFFF4, s9;
	v9 =	vsel vm0, v12, v9;
	v12 =	vld [tilespmem:s10+$0x40]  }
0x77: {  	v13 =	vsel vm2, s14, v13;
	s14 =	sadd.s32 $0xFFFFFFF5, s9;
	vm1 =	vgt.f32 v10, v9  }
0x78: {  	v13 =	vsel vm3, s14, v13;
	s14 =	sadd.s32 $0xFFFFFFF6, s9;
	v9 =	vsel vm1, v10, v9;
	v10 =	vld [tilespmem:s10+$0x50]  }
0x79: {  	v13 =	vsel vm4, s14, v13;
	s14 =	sadd.s32 $0xFFFFFFF7, s9;
	vm2 =	vgt.f32 v11, v9  }
0x7a: {  	v13 =	vsel vm5, s14, v13;
	s14 =	sadd.s32 $0xFFFFFFF8, s9;
	v9 =	vsel vm2, v11, v9;
	v11 =	vld [tilespmem:s10+$0x60]  }
0x7b: {  	v13 =	vsel vm6, s14, v13;
	s14 =	sadd.s32 $0xFFFFFFF9, s9;
	vm3 =	vgt.f32 v12, v9  }
0x7c: {  	v13 =	vsel vm7, s14, v13;
	s14 =	sadd.s32 $0xFFFFFFFA, s9;
	v9 =	vsel vm3, v12, v9;
	v12 =	vld [tilespmem:s10+$0x70]  }
0x7d: {  	v13 =	vsel vm0, s14, v13;
	s14 =	sadd.s32 $0xFFFFFFFB, s9;
	vm0 =	vgt.f32 v10, v9  }
0x7e: {  	v13 =	vsel vm1, s14, v13;
	s14 =	sadd.s32 $0xFFFFFFFC, s9;
	v9 =	vsel vm0, v10, v9  }
.Ltmp1:
0x7f: {  	v10 =	vsel vm2, s14, v13;
	s14 =	sadd.s32 $0xFFFFFFFD, s9;
	vm1 =	vgt.f32 v11, v9;
	(pc) =	sbr.rel @p1 .LBB2_4-.Ltmp1, $4  }
0x80: {  	v10 =	vsel vm3, s14, v10;
	s14 =	sadd.s32 $0xFFFFFFFE, s9;
	v9 =	vsel vm1, v11, v9  }
0x81: {  	v10 =	vsel vm0, s14, v10;
	s14 =	sadd.s32 $0xFFFFFFFF, s9;
	vm0 =	vgt.f32 v12, v9  }
0x82: {  	v10 =	vsel vm1, s14, v10;
	v11 =	vsel vm0, v12, v9  }
0x83: {  	v9 =	vsel vm0, s9, v10;
	s9 =	simm.s32 $0x0;
	[tilespmem:s11+$0x0] =	vst v11  }
0x84: {  	[tilespmem:s12+$0x0] =	vst v9  }
0x85: {  	v9 =	vld [tilespmem:$0x1AA80]  }
0x86: {  	v10 =	vld [tilespmem:$0x1A900]  }
0x87: {  	v11 =	vld [tilespmem:$0x1A910]  }
0x88: {  	v12 =	vld [tilespmem:$0x1AA70]  }
0x89: {  	v13 =	vld [tilespmem:$0x1A920]  }
0x8a: {  	v14 =	vld [tilespmem:$0x1AA60]  }
0x8b: {  	v15 =	vld [tilespmem:$0x1A930]  }
0x8c: {  	v16 =	vld [tilespmem:$0x1AA50];
	vm0 =	vgt.f32 v11, v10  }
0x8d: {  	v10 =	vsel vm0, v11, v10;
	v11 =	vld [tilespmem:$0x1A940]  }
0x8e: {  	v17 =	vld [tilespmem:$0x1AA40];
	vm1 =	vgt.f32 v13, v10  }
0x8f: {  	v10 =	vsel vm1, v13, v10;
	v13 =	vld [tilespmem:$0x1A950]  }
0x90: {  	v18 =	vld [tilespmem:$0x1AA30];
	vm2 =	vgt.f32 v15, v10  }
0x91: {  	v10 =	vsel vm2, v15, v10;
	v15 =	vld [tilespmem:$0x1A960]  }
0x92: {  	v19 =	vld [tilespmem:$0x1AA20];
	vm3 =	vgt.f32 v11, v10  }
0x93: {  	v10 =	vsel vm3, v11, v10;
	v11 =	vld [tilespmem:$0x1A970]  }
0x94: {  	v20 =	vld [tilespmem:$0x1AA10];
	vm4 =	vgt.f32 v13, v10  }
0x95: {  	v10 =	vsel vm4, v13, v10;
	v13 =	vld [tilespmem:$0x1A980]  }
0x96: {  	v21 =	vld [tilespmem:$0x1AA00];
	vm5 =	vgt.f32 v15, v10  }
0x97: {  	v10 =	vsel vm5, v15, v10;
	v15 =	vld [tilespmem:$0x1A990]  }
0x98: {  	v22 =	vld [tilespmem:$0x1A9F0];
	vm6 =	vgt.f32 v11, v10  }
0x99: {  	v10 =	vsel vm6, v11, v10;
	v11 =	vld [tilespmem:$0x1A9A0]  }
0x9a: {  	v23 =	vld [tilespmem:$0x1A9E0];
	vm7 =	vgt.f32 v13, v10  }
0x9b: {  	v10 =	vsel vm7, v13, v10;
	v13 =	vld [tilespmem:$0x1A9B0]  }
0x9c: {  	v24 =	vld [tilespmem:$0x1A9D0];
	vm8 =	vgt.f32 v15, v10  }
0x9d: {  	v10 =	vsel vm8, v15, v10;
	v15 =	vld [tilespmem:$0x1A9C0]  }
0x9e: {  	v25 =	vld [tilespmem:$0x1AB10];
	vm9 =	vgt.f32 v11, v10  }
0x9f: {  	v26 =	vld [tilespmem:$0x1AB00];
	v10 =	vsel vm9, v11, v10  }
0xa0: {  	v11 =	vld [tilespmem:$0x1AB20];
	vm10 =	vgt.f32 v13, v10  }
0xa1: {  	v27 =	vld [tilespmem:$0x1AB30];
	v10 =	vsel vm10, v13, v10  }
0xa2: {  	v13 =	vld [tilespmem:$0x1AB40];
	vm11 =	vgt.f32 v15, v10  }
0xa3: {  	v28 =	vld [tilespmem:$0x1AB50];
	v10 =	vsel vm11, v15, v10  }
0xa4: {  	v53 =	vld [tilespmem:$0x1AB60];
	v15 =	vsel vm0, v25, v26;
	vm0 =	vgt.f32 v24, v10  }
0xa5: {  	v11 =	vsel vm1, v11, v15;
	v15 =	vld [tilespmem:$0x1AB70];
	v10 =	vsel vm0, v24, v10  }
0xa6: {  	v54 =	vld [tilespmem:$0x1AB80];
	v11 =	vsel vm2, v27, v11;
	vm1 =	vgt.f32 v23, v10  }
0xa7: {  	v11 =	vsel vm3, v13, v11;
	v13 =	vld [tilespmem:$0x1AB90];
	v10 =	vsel vm1, v23, v10  }
0xa8: {  	v55 =	vld [tilespmem:$0x1ABA0];
	v11 =	vsel vm4, v28, v11;
	vm2 =	vgt.f32 v22, v10  }
0xa9: {  	v56 =	vld [tilespmem:$0x1ABB0];
	v11 =	vsel vm5, v53, v11;
	v10 =	vsel vm2, v22, v10  }
0xaa: {  	v11 =	vsel vm6, v15, v11;
	v15 =	vld [tilespmem:$0x1ABC0];
	vm3 =	vgt.f32 v21, v10  }
0xab: {  	v57 =	vld [tilespmem:$0x1ABD0];
	v11 =	vsel vm7, v54, v11;
	v10 =	vsel vm3, v21, v10  }
0xac: {  	v11 =	vsel vm8, v13, v11;
	v13 =	vld [tilespmem:$0x1ABE0];
	vm15 =	vgt.f32 v20, v10  }
0xad: {  	v58 =	vld [tilespmem:$0x1ABF0];
	v11 =	vsel vm9, v55, v11;
	v10 =	vsel vm15, v20, v10  }
0xae: {  	v59 =	vld [tilespmem:$0x1AC00];
	v11 =	vsel vm10, v56, v11;
	vm8 =	vgt.f32 v19, v10  }
0xaf: {  	v11 =	vsel vm11, v15, v11;
	v15 =	vld [tilespmem:$0x1AC10];
	v10 =	vsel vm8, v19, v10  }
0xb0: {  	v60 =	vld [tilespmem:$0x1AC20];
	v11 =	vsel vm0, v57, v11;
	vm0 =	vgt.f32 v18, v10  }
0xb1: {  	v11 =	vsel vm1, v13, v11;
	v13 =	vld [tilespmem:$0x1AC30];
	v10 =	vsel vm0, v18, v10  }
0xb2: {  	v61 =	vld [tilespmem:$0x1AC40];
	v11 =	vsel vm2, v58, v11;
	vm1 =	vgt.f32 v17, v10  }
0xb3: {  	v62 =	vld [tilespmem:$0x1AC50];
	v11 =	vsel vm3, v59, v11;
	v10 =	vsel vm1, v17, v10  }
0xb4: {  	v11 =	vsel vm15, v15, v11;
	v15 =	vld [tilespmem:$0x1AC60];
	vm2 =	vgt.f32 v16, v10  }
0xb5: {  	v63 =	vld [tilespmem:$0x1AC70];
	v11 =	vsel vm8, v60, v11;
	v10 =	vsel vm2, v16, v10  }
0xb6: {  	v11 =	vsel vm0, v13, v11;
	v13 =	vld [tilespmem:$0x1AC80];
	vm0 =	vgt.f32 v14, v10  }
0xb7: {  	v11 =	vsel vm1, v61, v11;
	v10 =	vsel vm0, v14, v10  }
0xb8: {  	v11 =	vsel vm2, v62, v11;
	vm1 =	vgt.f32 v12, v10  }
0xb9: {  	v11 =	vsel vm0, v15, v11;
	v10 =	vsel vm1, v12, v10  }
0xba: {  	v11 =	vsel vm1, v63, v11;
	vm0 =	vgt.f32 v9, v10  }
0xbb: {  	v9 =	vsel vm0, v9, v10;
	v10 =	vsel vm0, v13, v11  }
0xbc: {  	v11 =	vperm.xlane v9, v3;
	v12 =	vperm.xlane v10, v3;
	_ =	sdelay $0x1  }
0xbd: {  	vm0 =	veq.f32 v11, v9;
	vm1 =	vlt.s32 v12, v10  }
0xbe: {  	vm2 =	vgt.f32 v11, v9;
	vm0 =	vmand vm0, vm1  }
0xbf: {  	vm0 =	vmor vm2, vm0  }
0xc0: {  	v9 =	vsel vm0, v11, v9;
	v10 =	vsel vm0, v12, v10  }
0xc1: {  	v11 =	vperm.xlane v9, v4;
	v12 =	vperm.xlane v10, v4;
	_ =	sdelay $0x1  }
0xc2: {  	vm0 =	veq.f32 v11, v9;
	vm1 =	vlt.s32 v12, v10  }
0xc3: {  	vm2 =	vgt.f32 v11, v9;
	vm0 =	vmand vm0, vm1  }
0xc4: {  	vm0 =	vmor vm2, vm0  }
0xc5: {  	v9 =	vsel vm0, v11, v9;
	v10 =	vsel vm0, v12, v10  }
0xc6: {  	v11 =	vperm.xlane v9, v5;
	v12 =	vperm.xlane v10, v5;
	_ =	sdelay $0x1  }
0xc7: {  	vm0 =	veq.f32 v11, v9;
	vm1 =	vlt.s32 v12, v10  }
0xc8: {  	vm2 =	vgt.f32 v11, v9;
	vm0 =	vmand vm0, vm1  }
0xc9: {  	vm0 =	vmor vm2, vm0  }
0xca: {  	v9 =	vsel vm0, v11, v9;
	v10 =	vsel vm0, v12, v10  }
0xcb: {  	v11 =	vperm.xlane v9, v6;
	v12 =	vperm.xlane v10, v6;
	_ =	sdelay $0x1  }
0xcc: {  	vm0 =	veq.f32 v11, v9;
	vm1 =	vlt.s32 v12, v10  }
0xcd: {  	vm2 =	vgt.f32 v11, v9;
	vm0 =	vmand vm0, vm1  }
0xce: {  	vm0 =	vmor vm2, vm0  }
0xcf: {  	v9 =	vsel vm0, v12, v10  }
0xd0: {  	(v2sf) =	vpush v9, $0x0;
	_ =	sdelay $0xe  }
0xd1: {  	s10 =	spop (v2sf)  }
0xd2: {  	s11 =	sshll.u32 s10, $0x8  }
0xd3: {  	v9 =	vld [tilespmem:s11+$0x0]  }
0xd4: {  	v10 =	vld [tilespmem:s11+$0x10];
	_ =	sdelay $0x1  }
0xd5: {  	v11 =	vld [tilespmem:s11+$0x20];
	_ =	sdelay $0x1  }
0xd6: {  	v12 =	vld [tilespmem:s11+$0x30]  }
0xd7: {  	vm0 =	vgt.f32 v10, v9  }
0xd8: {  	v9 =	vsel vm0, v10, v9;
	v10 =	vld [tilespmem:s11+$0x40]  }
0xd9: {  	vm1 =	vgt.f32 v11, v9  }
0xda: {  	v9 =	vsel vm1, v11, v9;
	v11 =	vld [tilespmem:s11+$0x50]  }
0xdb: {  	vm2 =	vgt.f32 v12, v9  }
0xdc: {  	v9 =	vsel vm2, v12, v9;
	v12 =	vld [tilespmem:s11+$0x60]  }
0xdd: {  	vm3 =	vgt.f32 v10, v9  }
0xde: {  	v9 =	vsel vm3, v10, v9;
	v10 =	vld [tilespmem:s11+$0x70]  }
0xdf: {  	vm9 =	vgt.f32 v11, v9  }
0xe0: {  	v9 =	vsel vm9, v11, v9;
	v11 =	vld [tilespmem:s11+$0x80]  }
0xe1: {  	vm10 =	vgt.f32 v12, v9  }
0xe2: {  	v9 =	vsel vm10, v12, v9;
	v12 =	vld [tilespmem:s11+$0x90]  }
0xe3: {  	vm11 =	vgt.f32 v10, v9  }
0xe4: {  	v9 =	vsel vm11, v10, v9;
	v10 =	vld [tilespmem:s11+$0xA0]  }
0xe5: {  	v13 =	vmov s11;
	s14 =	sor.u32 $0x10, s11;
	vm12 =	vgt.f32 v11, v9  }
0xe6: {  	s15 =	sor.u32 $0x20, s11;
	v13 =	vsel vm0, s14, v13;
	v9 =	vsel vm12, v11, v9;
	v11 =	vld [tilespmem:s11+$0xB0]  }
0xe7: {  	s16 =	sor.u32 $0x30, s11;
	v13 =	vsel vm1, s15, v13;
	vm0 =	vgt.f32 v12, v9  }
0xe8: {  	s17 =	sor.u32 $0x40, s11;
	v13 =	vsel vm2, s16, v13;
	v9 =	vsel vm0, v12, v9;
	v12 =	vld [tilespmem:s11+$0xC0]  }
0xe9: {  	s18 =	sor.u32 $0x50, s11;
	v13 =	vsel vm3, s17, v13;
	vm1 =	vgt.f32 v10, v9  }
0xea: {  	s19 =	sor.u32 $0x60, s11;
	v13 =	vsel vm9, s18, v13;
	v9 =	vsel vm1, v10, v9;
	v10 =	vld [tilespmem:s11+$0xD0]  }
0xeb: {  	s20 =	sor.u32 $0x70, s11;
	v13 =	vsel vm10, s19, v13;
	vm2 =	vgt.f32 v11, v9  }
0xec: {  	s21 =	sor.u32 $0x80, s11;
	v13 =	vsel vm11, s20, v13;
	v9 =	vsel vm2, v11, v9;
	v11 =	vld [tilespmem:s11+$0xE0]  }
0xed: {  	s22 =	sor.u32 $0x90, s11;
	v13 =	vsel vm12, s21, v13;
	vm3 =	vgt.f32 v12, v9  }
0xee: {  	s23 =	sor.u32 $0xA0, s11;
	v13 =	vsel vm0, s22, v13;
	v9 =	vsel vm3, v12, v9;
	v12 =	vld [tilespmem:s11+$0xF0]  }
0xef: {  	s24 =	sor.u32 $0xB0, s11;
	v13 =	vsel vm1, s23, v13;
	vm0 =	vgt.f32 v10, v9  }
0xf0: {  	s25 =	sor.u32 $0xC0, s11;
	v13 =	vsel vm2, s24, v13;
	v9 =	vsel vm0, v10, v9  }
0xf1: {  	s26 =	sor.u32 $0xD0, s11;
	v10 =	vsel vm3, s25, v13;
	vm1 =	vgt.f32 v11, v9  }
0xf2: {  	s28 =	sor.u32 $0xE0, s11;
	v10 =	vsel vm0, s26, v10;
	v9 =	vsel vm1, v11, v9  }
0xf3: {  	s29 =	sor.u32 $0xF0, s11;
	v10 =	vsel vm1, s28, v10;
	vm0 =	vgt.f32 v12, v9  }
0xf4: {  	v10 =	vsel vm0, s29, v10  }
0xf5: {  	v9 =	vsel vm0, v12, v9;
	v10 =	vor.u32 v7, v10  }
0xf6: {  	v11 =	vperm.xlane v9, v3;
	v12 =	vperm.xlane v10, v3;
	_ =	sdelay $0x1  }
0xf7: {  	vm0 =	veq.f32 v11, v9;
	vm1 =	vlt.s32 v12, v10  }
0xf8: {  	vm2 =	vgt.f32 v11, v9;
	vm0 =	vmand vm0, vm1  }
0xf9: {  	vm0 =	vmor vm2, vm0  }
0xfa: {  	v9 =	vsel vm0, v11, v9;
	v10 =	vsel vm0, v12, v10  }
0xfb: {  	v11 =	vperm.xlane v9, v4;
	v12 =	vperm.xlane v10, v4;
	_ =	sdelay $0x1  }
0xfc: {  	vm0 =	veq.f32 v11, v9;
	vm1 =	vlt.s32 v12, v10  }
0xfd: {  	vm2 =	vgt.f32 v11, v9;
	vm0 =	vmand vm0, vm1  }
0xfe: {  	vm0 =	vmor vm2, vm0  }
0xff: {  	v9 =	vsel vm0, v11, v9;
	v10 =	vsel vm0, v12, v10  }
0x100: {  	v11 =	vperm.xlane v9, v5;
	v12 =	vperm.xlane v10, v5;
	_ =	sdelay $0x1  }
0x101: {  	vm0 =	veq.f32 v11, v9;
	vm1 =	vlt.s32 v12, v10  }
0x102: {  	vm2 =	vgt.f32 v11, v9;
	vm0 =	vmand vm0, vm1  }
0x103: {  	vm0 =	vmor vm2, vm0  }
0x104: {  	v9 =	vsel vm0, v11, v9;
	v10 =	vsel vm0, v12, v10  }
0x105: {  	v11 =	vperm.xlane v9, v6;
	v12 =	vperm.xlane v10, v6;
	_ =	sdelay $0x1  }
0x106: {  	vm0 =	veq.f32 v11, v9;
	vm1 =	vlt.s32 v12, v10  }
0x107: {  	vm2 =	vgt.f32 v11, v9;
	vm0 =	vmand vm0, vm1  }
0x108: {  	vm0 =	vmor vm2, vm0  }
0x109: {  	v9 =	vsel vm0, v12, v10  }
0x10a: {  	(v2sf) =	vpush v9, $0x0;
	_ =	sdelay $0x8  }
0x10b: {  	s30 =	sand.u32 $0x30, s9  }
0x10c: {  	v10 =	vld [tilespmem:s30+$0x1AD00];
	_ =	sdelay $0x1  }
0x10d: {  	s31 =	sand.u32 $0xF, s9  }
0x10e: {  	v11 =	vmov s31;
	v9 =	vbroadcast v9, $0x0  }
0x10f: {  	vm0 =	veq.s32 v11, v7  }
0x110: {  	v9 =	vsel vm0, v9, v10;
	s13 =	spop (v2sf)  }
0x111: {  	[tilespmem:s30+$0x1AD00] =	vst v9;
	s14 =	sand.u32 $0xFFFFFFF0, s13  }
0x112: {  	v9 =	vld [tilespmem:s14+$0x0];
	_ =	sdelay $0x1  }
0x113: {  	s9 =	sand.u32 $0xF, s13  }
0x114: {  	v10 =	vmov s9  }
0x115: {  	vm0 =	veq.s32 v10, v7  }
0x116: {  	v9 =	vsel vm0, $0xFF800000, v9  }
0x117: {  	[tilespmem:s14+$0x0] =	vst v9  }
0x118: {  	v9 =	vld [tilespmem:s11+$0x0]  }
0x119: {  	v10 =	vld [tilespmem:s11+$0x10]  }
0x11a: {  	v11 =	vld [tilespmem:s11+$0x20]  }
0x11b: {  	v12 =	vld [tilespmem:s11+$0x30]  }
0x11c: {  	v13 =	vld [tilespmem:s11+$0x40]  }
0x11d: {  	v14 =	vld [tilespmem:s11+$0x50]  }
0x11e: {  	v9 =	vmax.f32 v9, v10;
	v10 =	vld [tilespmem:s11+$0x60]  }
0x11f: {  	v9 =	vmax.f32 v9, v11;
	v11 =	vld [tilespmem:s11+$0x70]  }
0x120: {  	v9 =	vmax.f32 v9, v12;
	v12 =	vld [tilespmem:s11+$0x80]  }
0x121: {  	v9 =	vmax.f32 v9, v13;
	v13 =	vld [tilespmem:s11+$0x90]  }
0x122: {  	v9 =	vmax.f32 v9, v14;
	v14 =	vld [tilespmem:s11+$0xA0]  }
0x123: {  	v9 =	vmax.f32 v9, v10;
	v10 =	vld [tilespmem:s11+$0xB0]  }
0x124: {  	v9 =	vmax.f32 v9, v11;
	v11 =	vld [tilespmem:s11+$0xC0]  }
0x125: {  	v9 =	vmax.f32 v9, v12;
	v12 =	vld [tilespmem:s11+$0xD0]  }
0x126: {  	v9 =	vmax.f32 v9, v13;
	v13 =	vld [tilespmem:s11+$0xE0]  }
0x127: {  	v9 =	vmax.f32 v9, v14;
	v14 =	vld [tilespmem:s11+$0xF0]  }
0x128: {  	v9 =	vmax.f32 v9, v10  }
0x129: {  	v9 =	vmax.f32 v9, v11  }
0x12a: {  	v9 =	vmax.f32 v9, v12  }
0x12b: {  	s15 =	sshll.u32 s10, $0x6;
	v9 =	vmax.f32 v9, v13  }
0x12c: {  	s16 =	sshll.u32 s10, $0x4;
	s11 =	sshra.s32 s15, $0x2;
	v9 =	vmax.f32 v9, v14  }
0x12d: {  	s17 =	sand.u32 $0xFFFFFF00, s16;
	[tilespmem:s11+$0x19000] =	vst v9  }
0x12e: {  	v9 =	vld [tilespmem:s17+$0x19000]  }
0x12f: {  	v10 =	vld [tilespmem:s17+$0x19010];
	_ =	sdelay $0x1  }
0x130: {  	v11 =	vld [tilespmem:s17+$0x19020];
	_ =	sdelay $0x1  }
0x131: {  	v12 =	vld [tilespmem:s17+$0x19030]  }
0x132: {  	vm0 =	vgt.f32 v10, v9  }
0x133: {  	v9 =	vsel vm0, v10, v9;
	v10 =	vld [tilespmem:s17+$0x19040]  }
0x134: {  	vm1 =	vgt.f32 v11, v9  }
0x135: {  	v9 =	vsel vm1, v11, v9;
	v11 =	vld [tilespmem:s17+$0x19050]  }
0x136: {  	vm2 =	vgt.f32 v12, v9  }
0x137: {  	v9 =	vsel vm2, v12, v9;
	v12 =	vld [tilespmem:s17+$0x19060]  }
0x138: {  	vm3 =	vgt.f32 v10, v9  }
0x139: {  	v9 =	vsel vm3, v10, v9;
	v10 =	vld [tilespmem:s17+$0x19070]  }
0x13a: {  	vm13 =	vgt.f32 v11, v9  }
0x13b: {  	v9 =	vsel vm13, v11, v9;
	v11 =	vld [tilespmem:s17+$0x19080]  }
0x13c: {  	vm14 =	vgt.f32 v12, v9  }
0x13d: {  	v9 =	vsel vm14, v12, v9;
	v12 =	vld [tilespmem:s17+$0x19090]  }
0x13e: {  	s13 =	sand.u32 $0xFFFFFFF0, s10;
	vm15 =	vgt.f32 v10, v9  }
0x13f: {  	s18 =	sor.u32 $0x1, s13;
	v13 =	vmov s13;
	v9 =	vsel vm15, v10, v9;
	v10 =	vld [tilespmem:s17+$0x190A0]  }
0x140: {  	s19 =	sor.u32 $0x2, s13;
	v13 =	vsel vm0, s18, v13;
	vm0 =	vgt.f32 v11, v9  }
0x141: {  	s20 =	sor.u32 $0x3, s13;
	v13 =	vsel vm1, s19, v13;
	v9 =	vsel vm0, v11, v9;
	v11 =	vld [tilespmem:s17+$0x190B0]  }
0x142: {  	s21 =	sor.u32 $0x4, s13;
	v13 =	vsel vm2, s20, v13;
	vm1 =	vgt.f32 v12, v9  }
0x143: {  	s22 =	sor.u32 $0x5, s13;
	v13 =	vsel vm3, s21, v13;
	v9 =	vsel vm1, v12, v9;
	v12 =	vld [tilespmem:s17+$0x190C0]  }
0x144: {  	s23 =	sor.u32 $0x6, s13;
	v13 =	vsel vm13, s22, v13;
	vm2 =	vgt.f32 v10, v9  }
0x145: {  	s24 =	sor.u32 $0x7, s13;
	v13 =	vsel vm14, s23, v13;
	v9 =	vsel vm2, v10, v9  }
0x146: {  	s25 =	sor.u32 $0x8, s13;
	v10 =	vsel vm15, s24, v13;
	vm3 =	vgt.f32 v11, v9  }
0x147: {  	s26 =	sor.u32 $0x9, s13;
	v14 =	vld [tilespmem:s17+$0x190D0];
	v10 =	vsel vm0, s25, v10;
	v9 =	vsel vm3, v11, v9  }
0x148: {  	s28 =	sor.u32 $0xA, s13;
	v10 =	vsel vm1, s26, v10;
	vm1 =	vgt.f32 v12, v9  }
0x149: {  	s29 =	sor.u32 $0xB, s13;
	v10 =	vsel vm2, s28, v10;
	v12 =	vsel vm1, v12, v9;
	v9 =	vld [tilespmem:s17+$0x190E0]  }
0x14a: {  	s31 =	sor.u32 $0xF0, s16;
	s30 =	sor.u32 $0xC, s13;
	v10 =	vsel vm3, s29, v10  }
0x14b: {  	v11 =	vsel vm1, s30, v10;
	v10 =	vld [tilespmem:s31+$0x19000]  }
0x14c: {  	vm0 =	vgt.f32 v14, v12  }
0x14d: {  	s9 =	simm.s32 $0x1;
	s14 =	sor.u32 $0xD, s13;
	v12 =	vsel vm0, v14, v12  }
.LBB2_6:
0x14e: {  	p1 =	sne.s32 s9, $0x3F;
	vm1 =	vgt.f32 v9, v12;
	s11 =	smov.u32 s9;
	s9 =	sadd.s32 $0x1, s9  }
0x14f: {  	v11 =	vsel vm0, s14, v11;
	s12 =	sor.u32 $0xE, s13;
	v9 =	vsel vm1, v9, v12  }
0x150: {  	s10 =	sor.u32 $0xF, s10;
	v11 =	vsel vm1, s12, v11;
	vm0 =	vgt.f32 v10, v9  }
0x151: {  	v9 =	vsel vm0, v10, v9;
	v10 =	vsel vm0, s10, v11  }
0x152: {  	[tilespmem:s13+$0x1A900] =	vst v9  }
0x153: {  	[tilespmem:s13+$0x1AB00] =	vst v10  }
0x154: {  	v9 =	vld [tilespmem:$0x1AA80]  }
0x155: {  	v13 =	vld [tilespmem:$0x1A900]  }
0x156: {  	v14 =	vld [tilespmem:$0x1A910]  }
0x157: {  	v10 =	vld [tilespmem:$0x1AA70]  }
0x158: {  	v15 =	vld [tilespmem:$0x1A920]  }
0x159: {  	v11 =	vld [tilespmem:$0x1AA60]  }
0x15a: {  	v16 =	vld [tilespmem:$0x1A930]  }
0x15b: {  	vm0 =	vgt.f32 v14, v13;
	v12 =	vld [tilespmem:$0x1AA50]  }
0x15c: {  	v13 =	vsel vm0, v14, v13;
	v14 =	vld [tilespmem:$0x1A940]  }
0x15d: {  	vm1 =	vgt.f32 v15, v13;
	v17 =	vld [tilespmem:$0x1AA40]  }
0x15e: {  	v13 =	vsel vm1, v15, v13;
	v15 =	vld [tilespmem:$0x1A950]  }
0x15f: {  	vm2 =	vgt.f32 v16, v13;
	v18 =	vld [tilespmem:$0x1AA30]  }
0x160: {  	v13 =	vsel vm2, v16, v13;
	v16 =	vld [tilespmem:$0x1A960]  }
0x161: {  	vm3 =	vgt.f32 v14, v13;
	v19 =	vld [tilespmem:$0x1AA20]  }
0x162: {  	v13 =	vsel vm3, v14, v13;
	v14 =	vld [tilespmem:$0x1A970]  }
0x163: {  	vm4 =	vgt.f32 v15, v13;
	v20 =	vld [tilespmem:$0x1AA10]  }
0x164: {  	v13 =	vsel vm4, v15, v13;
	v15 =	vld [tilespmem:$0x1A980]  }
0x165: {  	vm5 =	vgt.f32 v16, v13;
	v21 =	vld [tilespmem:$0x1AA00]  }
0x166: {  	v13 =	vsel vm5, v16, v13;
	v16 =	vld [tilespmem:$0x1A990]  }
0x167: {  	vm6 =	vgt.f32 v14, v13;
	v22 =	vld [tilespmem:$0x1A9F0]  }
0x168: {  	v13 =	vsel vm6, v14, v13;
	v14 =	vld [tilespmem:$0x1A9A0]  }
0x169: {  	vm7 =	vgt.f32 v15, v13;
	v23 =	vld [tilespmem:$0x1A9E0]  }
0x16a: {  	v13 =	vsel vm7, v15, v13;
	v15 =	vld [tilespmem:$0x1A9B0]  }
0x16b: {  	vm8 =	vgt.f32 v16, v13;
	v24 =	vld [tilespmem:$0x1A9D0]  }
0x16c: {  	v13 =	vsel vm8, v16, v13;
	v16 =	vld [tilespmem:$0x1A9C0]  }
0x16d: {  	v25 =	vld [tilespmem:$0x1AB10];
	vm9 =	vgt.f32 v14, v13  }
0x16e: {  	v26 =	vld [tilespmem:$0x1AB00];
	v13 =	vsel vm9, v14, v13  }
0x16f: {  	v14 =	vld [tilespmem:$0x1AB20];
	vm10 =	vgt.f32 v15, v13  }
0x170: {  	v27 =	vld [tilespmem:$0x1AB30];
	v13 =	vsel vm10, v15, v13  }
0x171: {  	v15 =	vld [tilespmem:$0x1AB40];
	vm11 =	vgt.f32 v16, v13  }
0x172: {  	v28 =	vld [tilespmem:$0x1AB50];
	v13 =	vsel vm11, v16, v13  }
0x173: {  	v16 =	vsel vm0, v25, v26;
	v25 =	vld [tilespmem:$0x1AB60];
	vm0 =	vgt.f32 v24, v13  }
0x174: {  	v14 =	vsel vm1, v14, v16;
	v16 =	vld [tilespmem:$0x1AB70];
	v13 =	vsel vm0, v24, v13  }
0x175: {  	v14 =	vsel vm2, v27, v14;
	v24 =	vld [tilespmem:$0x1AB80];
	vm1 =	vgt.f32 v23, v13  }
0x176: {  	v14 =	vsel vm3, v15, v14;
	v15 =	vld [tilespmem:$0x1AB90];
	v13 =	vsel vm1, v23, v13  }
0x177: {  	v14 =	vsel vm4, v28, v14;
	v23 =	vld [tilespmem:$0x1ABA0];
	vm2 =	vgt.f32 v22, v13  }
0x178: {  	v14 =	vsel vm5, v25, v14;
	v25 =	vld [tilespmem:$0x1ABB0];
	v13 =	vsel vm2, v22, v13  }
0x179: {  	v14 =	vsel vm6, v16, v14;
	v16 =	vld [tilespmem:$0x1ABC0];
	vm3 =	vgt.f32 v21, v13  }
0x17a: {  	v14 =	vsel vm7, v24, v14;
	v22 =	vld [tilespmem:$0x1ABD0];
	v13 =	vsel vm3, v21, v13  }
0x17b: {  	v14 =	vsel vm8, v15, v14;
	v15 =	vld [tilespmem:$0x1ABE0];
	vm4 =	vgt.f32 v20, v13  }
0x17c: {  	v14 =	vsel vm9, v23, v14;
	v21 =	vld [tilespmem:$0x1ABF0];
	v13 =	vsel vm4, v20, v13  }
0x17d: {  	v14 =	vsel vm10, v25, v14;
	v20 =	vld [tilespmem:$0x1AC00];
	vm5 =	vgt.f32 v19, v13  }
0x17e: {  	v14 =	vsel vm11, v16, v14;
	v16 =	vld [tilespmem:$0x1AC10];
	v13 =	vsel vm5, v19, v13  }
0x17f: {  	v14 =	vsel vm0, v22, v14;
	v19 =	vld [tilespmem:$0x1AC20];
	vm0 =	vgt.f32 v18, v13  }
0x180: {  	v14 =	vsel vm1, v15, v14;
	v15 =	vld [tilespmem:$0x1AC30];
	v13 =	vsel vm0, v18, v13  }
0x181: {  	v14 =	vsel vm2, v21, v14;
	v18 =	vld [tilespmem:$0x1AC40];
	vm1 =	vgt.f32 v17, v13  }
0x182: {  	v14 =	vsel vm3, v20, v14;
	v13 =	vsel vm1, v17, v13;
	v17 =	vld [tilespmem:$0x1AC50]  }
0x183: {  	v14 =	vsel vm4, v16, v14;
	vm2 =	vgt.f32 v12, v13;
	v16 =	vld [tilespmem:$0x1AC60]  }
0x184: {  	v14 =	vsel vm5, v19, v14;
	v12 =	vsel vm2, v12, v13;
	v13 =	vld [tilespmem:$0x1AC70]  }
0x185: {  	v14 =	vsel vm0, v15, v14;
	vm0 =	vgt.f32 v11, v12;
	v15 =	vld [tilespmem:$0x1AC80]  }
0x186: {  	v14 =	vsel vm1, v18, v14;
	v11 =	vsel vm0, v11, v12  }
0x187: {  	v12 =	vsel vm2, v17, v14;
	vm1 =	vgt.f32 v10, v11  }
0x188: {  	v12 =	vsel vm0, v16, v12;
	v10 =	vsel vm1, v10, v11  }
0x189: {  	v11 =	vsel vm1, v13, v12;
	vm0 =	vgt.f32 v9, v10  }
0x18a: {  	v9 =	vsel vm0, v9, v10;
	v10 =	vsel vm0, v15, v11  }
0x18b: {  	v11 =	vperm.xlane v9, v3;
	v12 =	vperm.xlane v10, v3;
	_ =	sdelay $0x1  }
0x18c: {  	vm0 =	vgt.f32 v11, v9;
	vm1 =	veq.f32 v11, v9;
	vm2 =	vlt.s32 v12, v10  }
0x18d: {  	vm1 =	vmand vm1, vm2  }
0x18e: {  	vm0 =	vmor vm0, vm1  }
0x18f: {  	v9 =	vsel vm0, v11, v9;
	v10 =	vsel vm0, v12, v10  }
0x190: {  	v11 =	vperm.xlane v9, v4;
	v12 =	vperm.xlane v10, v4;
	_ =	sdelay $0x1  }
0x191: {  	vm0 =	vgt.f32 v11, v9;
	vm1 =	veq.f32 v11, v9;
	vm2 =	vlt.s32 v12, v10  }
0x192: {  	vm1 =	vmand vm1, vm2  }
0x193: {  	vm0 =	vmor vm0, vm1  }
0x194: {  	v9 =	vsel vm0, v11, v9;
	v10 =	vsel vm0, v12, v10  }
0x195: {  	v11 =	vperm.xlane v9, v5;
	v12 =	vperm.xlane v10, v5;
	_ =	sdelay $0x1  }
0x196: {  	vm0 =	vgt.f32 v11, v9;
	vm1 =	veq.f32 v11, v9;
	vm2 =	vlt.s32 v12, v10  }
0x197: {  	vm1 =	vmand vm1, vm2  }
0x198: {  	vm0 =	vmor vm0, vm1  }
0x199: {  	v9 =	vsel vm0, v11, v9;
	v10 =	vsel vm0, v12, v10  }
0x19a: {  	v11 =	vperm.xlane v9, v6;
	v12 =	vperm.xlane v10, v6;
	_ =	sdelay $0x1  }
0x19b: {  	vm0 =	vgt.f32 v11, v9;
	vm1 =	veq.f32 v11, v9;
	vm2 =	vlt.s32 v12, v10  }
0x19c: {  	vm1 =	vmand vm1, vm2  }
0x19d: {  	vm0 =	vmor vm0, vm1  }
0x19e: {  	v9 =	vsel vm0, v12, v10  }
0x19f: {  	(v2sf) =	vpush v9, $0x0;
	_ =	sdelay $0xe  }
0x1a0: {  	s10 =	spop (v2sf)  }
0x1a1: {  	s14 =	sshll.u32 s10, $0x8;
	s13 =	sshll.u32 s10, $0x6;
	s12 =	sshll.u32 s10, $0x4  }
0x1a2: {  	v9 =	vld [tilespmem:s14+$0x0]  }
0x1a3: {  	v10 =	vld [tilespmem:s14+$0x10];
	_ =	sdelay $0x1  }
0x1a4: {  	v11 =	vld [tilespmem:s14+$0x20];
	_ =	sdelay $0x1  }
0x1a5: {  	v12 =	vld [tilespmem:s14+$0x30]  }
0x1a6: {  	vm0 =	vgt.f32 v10, v9  }
0x1a7: {  	v9 =	vsel vm0, v10, v9;
	v10 =	vld [tilespmem:s14+$0x40]  }
0x1a8: {  	vm1 =	vgt.f32 v11, v9  }
0x1a9: {  	v9 =	vsel vm1, v11, v9;
	v11 =	vld [tilespmem:s14+$0x50]  }
0x1aa: {  	vm2 =	vgt.f32 v12, v9  }
0x1ab: {  	v9 =	vsel vm2, v12, v9;
	v12 =	vld [tilespmem:s14+$0x60]  }
0x1ac: {  	vm3 =	vgt.f32 v10, v9  }
0x1ad: {  	v9 =	vsel vm3, v10, v9;
	v10 =	vld [tilespmem:s14+$0x70]  }
0x1ae: {  	vm4 =	vgt.f32 v11, v9  }
0x1af: {  	v9 =	vsel vm4, v11, v9;
	v11 =	vld [tilespmem:s14+$0x80]  }
0x1b0: {  	vm5 =	vgt.f32 v12, v9  }
0x1b1: {  	v9 =	vsel vm5, v12, v9;
	v12 =	vld [tilespmem:s14+$0x90]  }
0x1b2: {  	vm6 =	vgt.f32 v10, v9  }
0x1b3: {  	v13 =	vmov s14;
	s15 =	sor.u32 $0x10, s14;
	v9 =	vsel vm6, v10, v9;
	v10 =	vld [tilespmem:s14+$0xA0]  }
0x1b4: {  	v13 =	vsel vm0, s15, v13;
	s15 =	sor.u32 $0x20, s14;
	vm0 =	vgt.f32 v11, v9  }
0x1b5: {  	v13 =	vsel vm1, s15, v13;
	s15 =	sor.u32 $0x30, s14;
	v9 =	vsel vm0, v11, v9;
	v11 =	vld [tilespmem:s14+$0xB0]  }
0x1b6: {  	v13 =	vsel vm2, s15, v13;
	s15 =	sor.u32 $0x40, s14;
	vm1 =	vgt.f32 v12, v9  }
0x1b7: {  	v13 =	vsel vm3, s15, v13;
	s15 =	sor.u32 $0x50, s14;
	v9 =	vsel vm1, v12, v9;
	v12 =	vld [tilespmem:s14+$0xC0]  }
0x1b8: {  	v13 =	vsel vm4, s15, v13;
	s15 =	sor.u32 $0x60, s14;
	vm2 =	vgt.f32 v10, v9  }
0x1b9: {  	v13 =	vsel vm5, s15, v13;
	s15 =	sor.u32 $0x70, s14;
	v9 =	vsel vm2, v10, v9;
	v10 =	vld [tilespmem:s14+$0xD0]  }
0x1ba: {  	v13 =	vsel vm6, s15, v13;
	s15 =	sor.u32 $0x80, s14;
	vm3 =	vgt.f32 v11, v9  }
0x1bb: {  	v13 =	vsel vm0, s15, v13;
	s15 =	sor.u32 $0x90, s14;
	v9 =	vsel vm3, v11, v9;
	v11 =	vld [tilespmem:s14+$0xE0]  }
0x1bc: {  	v13 =	vsel vm1, s15, v13;
	s15 =	sor.u32 $0xA0, s14;
	vm0 =	vgt.f32 v12, v9  }
0x1bd: {  	v13 =	vsel vm2, s15, v13;
	s15 =	sor.u32 $0xB0, s14;
	v9 =	vsel vm0, v12, v9;
	v12 =	vld [tilespmem:s14+$0xF0]  }
0x1be: {  	v13 =	vsel vm3, s15, v13;
	s15 =	sor.u32 $0xC0, s14;
	vm1 =	vgt.f32 v10, v9  }
0x1bf: {  	v13 =	vsel vm0, s15, v13;
	s15 =	sor.u32 $0xD0, s14;
	v9 =	vsel vm1, v10, v9  }
0x1c0: {  	v10 =	vsel vm1, s15, v13;
	s15 =	sor.u32 $0xE0, s14;
	vm0 =	vgt.f32 v11, v9  }
0x1c1: {  	v9 =	vsel vm0, v11, v9;
	v10 =	vsel vm0, s15, v10;
	s15 =	sor.u32 $0xF0, s14  }
0x1c2: {  	vm0 =	vgt.f32 v12, v9  }
0x1c3: {  	v9 =	vsel vm0, v12, v9;
	v10 =	vsel vm0, s15, v10  }
0x1c4: {  	v10 =	vor.u32 v7, v10;
	v11 =	vperm.xlane v9, v3  }
0x1c5: {  	v12 =	vperm.xlane v10, v3  }
0x1c6: {  	vm0 =	vgt.f32 v11, v9;
	vm1 =	veq.f32 v11, v9  }
0x1c7: {  	vm2 =	vlt.s32 v12, v10  }
0x1c8: {  	vm1 =	vmand vm1, vm2  }
0x1c9: {  	vm0 =	vmor vm0, vm1  }
0x1ca: {  	v9 =	vsel vm0, v11, v9;
	v10 =	vsel vm0, v12, v10  }
0x1cb: {  	v11 =	vperm.xlane v9, v4;
	v12 =	vperm.xlane v10, v4;
	_ =	sdelay $0x1  }
0x1cc: {  	vm0 =	vgt.f32 v11, v9;
	vm1 =	veq.f32 v11, v9;
	vm2 =	vlt.s32 v12, v10  }
0x1cd: {  	vm1 =	vmand vm1, vm2  }
0x1ce: {  	vm0 =	vmor vm0, vm1  }
0x1cf: {  	v9 =	vsel vm0, v11, v9;
	v10 =	vsel vm0, v12, v10  }
0x1d0: {  	v11 =	vperm.xlane v9, v5;
	v12 =	vperm.xlane v10, v5;
	_ =	sdelay $0x1  }
0x1d1: {  	vm0 =	vgt.f32 v11, v9;
	vm1 =	veq.f32 v11, v9;
	vm2 =	vlt.s32 v12, v10  }
0x1d2: {  	vm1 =	vmand vm1, vm2  }
0x1d3: {  	vm0 =	vmor vm0, vm1  }
0x1d4: {  	v9 =	vsel vm0, v11, v9;
	v10 =	vsel vm0, v12, v10  }
0x1d5: {  	v11 =	vperm.xlane v9, v6;
	v12 =	vperm.xlane v10, v6;
	_ =	sdelay $0x1  }
0x1d6: {  	s15 =	sand.u32 $0x30, s11;
	vm0 =	vgt.f32 v11, v9;
	vm1 =	veq.f32 v11, v9;
	vm2 =	vlt.s32 v12, v10  }
0x1d7: {  	vm1 =	vmand vm1, vm2;
	v9 =	vld [tilespmem:s15+$0x1AD00]  }
0x1d8: {  	vm0 =	vmor vm0, vm1  }
0x1d9: {  	s11 =	sand.u32 $0xF, s11;
	v10 =	vsel vm0, v12, v10  }
0x1da: {  	v11 =	vmov s11;
	v12 =	vbroadcast v10, $0x0;
	(v2sf) =	vpush v10, $0x0  }
0x1db: {  	vm0 =	veq.s32 v11, v7  }
0x1dc: {  	v9 =	vsel vm0, v12, v9;
	_ =	sdelay $0xc  }
0x1dd: {  	s11 =	spop (v2sf)  }
0x1de: {  	[tilespmem:s15+$0x1AD00] =	vst v9;
	s15 =	sand.u32 $0xFFFFFFF0, s11;
	s11 =	sand.u32 $0xF, s11  }
0x1df: {  	v9 =	vld [tilespmem:s15+$0x0];
	v10 =	vmov s11;
	_ =	sdelay $0x2  }
0x1e0: {  	vm0 =	veq.s32 v10, v7;
	_ =	sdelay $0x1  }
0x1e1: {  	v9 =	vsel vm0, $0xFF800000, v9  }
0x1e2: {  	[tilespmem:s15+$0x0] =	vst v9  }
0x1e3: {  	v9 =	vld [tilespmem:s14+$0x20]  }
0x1e4: {  	v10 =	vld [tilespmem:s14+$0x0]  }
0x1e5: {  	v11 =	vld [tilespmem:s14+$0x10];
	_ =	sdelay $0x1  }
0x1e6: {  	v12 =	vld [tilespmem:s14+$0x30]  }
0x1e7: {  	v13 =	vld [tilespmem:s14+$0x40]  }
0x1e8: {  	v14 =	vld [tilespmem:s14+$0x50]  }
0x1e9: {  	v10 =	vmax.f32 v10, v11;
	v11 =	vld [tilespmem:s14+$0x60]  }
0x1ea: {  	v9 =	vmax.f32 v10, v9;
	v10 =	vld [tilespmem:s14+$0x70]  }
0x1eb: {  	v9 =	vmax.f32 v9, v12;
	v12 =	vld [tilespmem:s14+$0x80]  }
0x1ec: {  	v9 =	vmax.f32 v9, v13;
	v13 =	vld [tilespmem:s14+$0x90]  }
0x1ed: {  	v9 =	vmax.f32 v9, v14;
	v14 =	vld [tilespmem:s14+$0xA0]  }
0x1ee: {  	v9 =	vmax.f32 v9, v11;
	v11 =	vld [tilespmem:s14+$0xB0]  }
0x1ef: {  	v9 =	vmax.f32 v9, v10;
	v10 =	vld [tilespmem:s14+$0xC0]  }
0x1f0: {  	v9 =	vmax.f32 v9, v12;
	v12 =	vld [tilespmem:s14+$0xD0]  }
0x1f1: {  	v9 =	vmax.f32 v9, v13;
	v13 =	vld [tilespmem:s14+$0xE0]  }
0x1f2: {  	v9 =	vmax.f32 v9, v14;
	v14 =	vld [tilespmem:s14+$0xF0]  }
0x1f3: {  	v9 =	vmax.f32 v9, v11  }
0x1f4: {  	v9 =	vmax.f32 v9, v10  }
0x1f5: {  	v9 =	vmax.f32 v9, v12  }
0x1f6: {  	v9 =	vmax.f32 v9, v13  }
0x1f7: {  	s11 =	sshra.s32 s13, $0x2;
	v9 =	vmax.f32 v9, v14  }
0x1f8: {  	[tilespmem:s11+$0x19000] =	vst v9;
	s11 =	sand.u32 $0xFFFFFF00, s12  }
0x1f9: {  	v9 =	vld [tilespmem:s11+$0x19000]  }
0x1fa: {  	v10 =	vld [tilespmem:s11+$0x19010];
	_ =	sdelay $0x1  }
0x1fb: {  	v11 =	vld [tilespmem:s11+$0x19020];
	_ =	sdelay $0x1  }
0x1fc: {  	v12 =	vld [tilespmem:s11+$0x19030]  }
0x1fd: {  	vm0 =	vgt.f32 v10, v9  }
0x1fe: {  	v9 =	vsel vm0, v10, v9;
	v10 =	vld [tilespmem:s11+$0x19040]  }
0x1ff: {  	vm1 =	vgt.f32 v11, v9  }
0x200: {  	s13 =	sand.u32 $0xFFFFFFF0, s10;
	v9 =	vsel vm1, v11, v9;
	v11 =	vld [tilespmem:s11+$0x19050]  }
0x201: {  	s15 =	sor.u32 $0x1, s13;
	s14 =	sor.u32 $0xD, s13;
	v13 =	vmov s13;
	vm2 =	vgt.f32 v12, v9  }
0x202: {  	v13 =	vsel vm0, s15, v13;
	s15 =	sor.u32 $0x2, s13;
	v9 =	vsel vm2, v12, v9;
	v12 =	vld [tilespmem:s11+$0x19060]  }
0x203: {  	v13 =	vsel vm1, s15, v13;
	s15 =	sor.u32 $0x3, s13;
	vm0 =	vgt.f32 v10, v9  }
0x204: {  	v13 =	vsel vm2, s15, v13;
	s15 =	sor.u32 $0x4, s13;
	v9 =	vsel vm0, v10, v9;
	v10 =	vld [tilespmem:s11+$0x19070]  }
0x205: {  	v13 =	vsel vm0, s15, v13;
	s15 =	sor.u32 $0x5, s13;
	vm0 =	vgt.f32 v11, v9  }
0x206: {  	v9 =	vsel vm0, v11, v9;
	v11 =	vsel vm0, s15, v13;
	v13 =	vld [tilespmem:s11+$0x19080]  }
0x207: {  	s15 =	sor.u32 $0x6, s13;
	vm0 =	vgt.f32 v12, v9  }
0x208: {  	v9 =	vsel vm0, v12, v9;
	v11 =	vsel vm0, s15, v11;
	v12 =	vld [tilespmem:s11+$0x19090]  }
0x209: {  	vm0 =	vgt.f32 v10, v9  }
0x20a: {  	v9 =	vsel vm0, v10, v9;
	v10 =	vld [tilespmem:s11+$0x190A0]  }
0x20b: {  	vm1 =	vgt.f32 v13, v9  }
0x20c: {  	v9 =	vsel vm1, v13, v9;
	v13 =	vld [tilespmem:s11+$0x190B0]  }
0x20d: {  	vm2 =	vgt.f32 v12, v9  }
0x20e: {  	s15 =	sor.u32 $0x7, s13;
	v9 =	vsel vm2, v12, v9;
	v12 =	vld [tilespmem:s11+$0x190C0]  }
0x20f: {  	v11 =	vsel vm0, s15, v11;
	s15 =	sor.u32 $0x8, s13;
	vm0 =	vgt.f32 v10, v9  }
0x210: {  	v11 =	vsel vm1, s15, v11;
	s15 =	sor.u32 $0x9, s13;
	v9 =	vsel vm0, v10, v9;
	v14 =	vld [tilespmem:s11+$0x190D0]  }
0x211: {  	v10 =	vsel vm2, s15, v11;
	s15 =	sor.u32 $0xA, s13;
	vm1 =	vgt.f32 v13, v9  }
.Ltmp2:
0x212: {  	v10 =	vsel vm0, s15, v10;
	s15 =	sor.u32 $0xB, s13;
	v11 =	vsel vm1, v13, v9;
	v9 =	vld [tilespmem:s11+$0x190E0];
	(pc) =	sbr.rel @p1 .LBB2_6-.Ltmp2, $4  }
0x213: {  	s12 =	sor.u32 $0xF0, s12;
	v10 =	vsel vm1, s15, v10;
	s11 =	sor.u32 $0xC, s13;
	vm0 =	vgt.f32 v12, v11  }
0x214: {  	v12 =	vsel vm0, v12, v11;
	v11 =	vsel vm0, s11, v10;
	v10 =	vld [tilespmem:s12+$0x19000]  }
0x215: {  	vm0 =	vgt.f32 v14, v12  }
0x216: {  	v12 =	vsel vm0, v14, v12  }
0x217: {  	vm1 =	vgt.f32 v9, v12  }
0x218: {  	v9 =	vsel vm1, v9, v12  }
0x219: {  	v11 =	vsel vm0, s14, v11;
	s9 =	sor.u32 $0xE, s13;
	vm15 =	vgt.f32 v10, v9  }
0x21a: {  	s31 =	sor.u32 $0xF, s10;
	v11 =	vsel vm1, s9, v11;
	v9 =	vsel vm15, v10, v9  }
0x21b: {  	v10 =	vsel vm15, s31, v11;
	[tilespmem:s13+$0x1A900] =	vst v9  }
0x21c: {  	s10 =	simm.s32 $0x0;
	s9 =	simm.s32 $0x400;
	[tilespmem:s13+$0x1AB00] =	vst v10  }
.LBB2_8:
0x21d: {  	p1 =	sne.s32 s9, $0x63C00;
	[tilespmem:s10+$0xF0] =	vst v8  }
0x21e: {  	[tilespmem:s10+$0x0] =	vst v8  }
0x21f: {  	[tilespmem:s10+$0x10] =	vst v8  }
0x220: {  	[tilespmem:s10+$0x20] =	vst v8  }
0x221: {  	[tilespmem:s10+$0x30] =	vst v8  }
0x222: {  	[tilespmem:s10+$0x40] =	vst v8  }
0x223: {  	[tilespmem:s10+$0x50] =	vst v8  }
0x224: {  	[tilespmem:s10+$0x60] =	vst v8  }
0x225: {  	[tilespmem:s10+$0x70] =	vst v8  }
0x226: {  	[tilespmem:s10+$0x80] =	vst v8  }
0x227: {  	[tilespmem:s10+$0x90] =	vst v8  }
.Ltmp3:
0x228: {  	[tilespmem:s10+$0xA0] =	vst v8;
	(pc) =	sbr.rel @p1 .LBB2_8-.Ltmp3, $4  }
0x229: {  	[tilespmem:s10+$0xB0] =	vst v8  }
0x22a: {  	[tilespmem:s10+$0xC0] =	vst v8  }
0x22b: {  	[tilespmem:s10+$0xD0] =	vst v8  }
0x22c: {  	[tilespmem:s10+$0xE0] =	vst v8;
	s10 =	sshra.s32 s9, $0x2;
	s9 =	sadd.s32 $0x400, s9  }
0x22d: {  	[tilespmem:s10+$0xF0] =	vst v8  }
0x22e: {  	[tilespmem:s10+$0x0] =	vst v8  }
0x22f: {  	[tilespmem:s10+$0x10] =	vst v8  }
0x230: {  	[tilespmem:s10+$0x20] =	vst v8  }
0x231: {  	[tilespmem:s10+$0x30] =	vst v8  }
0x232: {  	[tilespmem:s10+$0x40] =	vst v8  }
0x233: {  	[tilespmem:s10+$0x50] =	vst v8  }
0x234: {  	[tilespmem:s10+$0x60] =	vst v8  }
0x235: {  	[tilespmem:s10+$0x70] =	vst v8  }
0x236: {  	[tilespmem:s10+$0x80] =	vst v8  }
0x237: {  	[tilespmem:s10+$0x90] =	vst v8  }
0x238: {  	[tilespmem:s10+$0xA0] =	vst v8  }
0x239: {  	[tilespmem:s10+$0xB0] =	vst v8  }
0x23a: {  	[tilespmem:s10+$0xC0] =	vst v8  }
0x23b: {  	[tilespmem:s10+$0xD0] =	vst v8;
	s9 =	simm.s32 $0x0  }
0x23c: {  	[tilespmem:s10+$0xE0] =	vst v8;
	s10 =	simm.s32 $0x1;
	s11 =	sand.u32 $0x30, s9  }
.LBB2_10:
0x23d: {  	p1 =	sne.s32 s10, $0x3F;
	v9 =	vld [tilespmem:s11+$0x1AD00];
	_ =	sdelay $0x1  }
0x23e: {  	s11 =	sand.u32 $0xF, s9;
	s9 =	smov.u32 s10  }
0x23f: {  	v10 =	vmov s11  }
0x240: {  	vm0 =	veq.s32 v10, v7  }
0x241: {  	v9 =	vnsel vm0, $0x80000000, v9  }
0x242: {  	v10 =	vperm.xlane v9, v3;
	_ =	sdelay $0x1  }
0x243: {  	vm0 =	vgt.s32 v9, v10  }
0x244: {  	v9 =	vsel vm0, v9, v10  }
0x245: {  	v10 =	vperm.xlane v9, v0;
	_ =	sdelay $0x1  }
0x246: {  	vm0 =	vgt.s32 v9, v10  }
0x247: {  	v9 =	vsel vm0, v9, v10  }
0x248: {  	v10 =	vperm.xlane v9, v1;
	_ =	sdelay $0x1  }
0x249: {  	vm0 =	vgt.s32 v9, v10  }
0x24a: {  	v9 =	vsel vm0, v9, v10  }
0x24b: {  	v10 =	vperm.xlane v9, v2;
	_ =	sdelay $0x1  }
0x24c: {  	vm0 =	vgt.s32 v9, v10  }
0x24d: {  	v9 =	vsel vm0, v9, v10  }
0x24e: {  	(v2sf) =	vpush v9, $0x0;
	_ =	sdelay $0xe  }
0x24f: {  	s11 =	spop (v2sf)  }
0x250: {  	s12 =	sand.u32 $0xFFFFFFF0, s11  }
0x251: {  	v9 =	vld [tilespmem:s12+$0x0];
	_ =	sdelay $0x1  }
.Ltmp4:
0x252: {  	s11 =	sand.u32 $0xF, s11;
	(pc) =	sbr.rel @p1 .LBB2_10-.Ltmp4, $4  }
0x253: {  	v10 =	vmov s11  }
0x254: {  	vm0 =	veq.s32 v10, v7  }
0x255: {  	v9 =	vsel vm0, $0x3F800000, v9  }
0x256: {  	s10 =	sadd.s32 $0x1, s10;
	s11 =	sand.u32 $0x30, s9;
	[tilespmem:s12+$0x0] =	vst v9  }
0x257: {  	v9 =	vld [tilespmem:s11+$0x1AD00];
	_ =	sdelay $0x1  }
0x258: {  	s9 =	sand.u32 $0xF, s9  }
0x259: {  	v10 =	vmov s9  }
0x25a: {  	vm0 =	veq.s32 v10, v7  }
0x25b: {  	v9 =	vnsel vm0, $0x80000000, v9  }
0x25c: {  	v10 =	vperm.xlane v9, v3;
	_ =	sdelay $0x1  }
0x25d: {  	vm0 =	vgt.s32 v9, v10  }
0x25e: {  	v9 =	vsel vm0, v9, v10  }
0x25f: {  	v10 =	vperm.xlane v9, v0;
	_ =	sdelay $0x1  }
0x260: {  	vm0 =	vgt.s32 v9, v10  }
0x261: {  	v9 =	vsel vm0, v9, v10  }
0x262: {  	v10 =	vperm.xlane v9, v1;
	_ =	sdelay $0x1  }
0x263: {  	vm0 =	vgt.s32 v9, v10  }
0x264: {  	v9 =	vsel vm0, v9, v10  }
0x265: {  	v10 =	vperm.xlane v9, v2;
	_ =	sdelay $0x1  }
0x266: {  	vm0 =	vgt.s32 v9, v10  }
0x267: {  	v9 =	vsel vm0, v9, v10  }
0x268: {  	(v2sf) =	vpush v9, $0x0;
	_ =	sdelay $0xe  }
0x269: {  	s31 =	spop (v2sf)  }
0x26a: {  	s10 =	sand.u32 $0xFFFFFFF0, s31  }
0x26b: {  	v9 =	vld [tilespmem:s10+$0x0];
	_ =	sdelay $0x1  }
0x26c: {  	s9 =	sand.u32 $0xF, s31  }
0x26d: {  	v10 =	vmov s9  }
0x26e: {  	vm15 =	veq.s32 v10, v7  }
0x26f: {  	v9 =	vsel vm15, $0x3F800000, v9  }
0x270: {  	[tilespmem:s10+$0x0] =	vst v9  }
0x271: {  	[hbm4b:s5+s3] =	stream.linear.scatter [tilespmem:s3], [sflag:$0x1], $0x19000, $0x38;
	[tilespmem:$0x1AD80] =	vst v63  }
0x272: {  	s8 =	sadd.s32 $0x1, s8;
	_ =	swait.ge [sflag:s7], $0x19000  }
0x273: {  	p1 =	sne.s32 s8, s6;
	[sflag:s7] =	ssyncset.done $0x0  }
0x274: {  	s9 =	simm.s32 @!p0 $0x0;
	s10 =	simm.s32 @!p0 $0x1AD00;
	[sflag:s7] =	ssyncadd.s32 $0xFFFE7000  }
0x275: {  	[hbm4b:s2+s9] =	stream.linear.scatter @!p0 [tilespmem:s10], [sflag:$0x1], $0x80, $0x38;
	[tilespmem:$0x1AD80] =	vst v63  }
.Ltmp5:
0x276: {  	_ = 	snop;
	(pc) =	sbr.rel @p1 .LBB2_1-.Ltmp5, $4  }
0x277: {  	s9 =	simm.s32 @!p0 $0x1  }
0x278: {  	_ =	swait.ge @!p0 [sflag:s9], $0x80  }
0x279: {  	[sflag:s9] =	ssyncset.done @!p0 $0x0  }
0x27a: {  	[sflag:s9] =	ssyncadd.s32 @!p0 $0xFFFFFF80  }
0x27b: {  	_ =	sfence.sel $0x180000  }
0x27c: {  	[bflag:$0x0] =	sbarrier.arrive $0xFFFF  }
0x27d: {  	p0 =	sne.s32 s0, $0x0;
	_ =	strace $0x90000047  }
0x27e: {  	s0 =	sadd.s32 @!p0 $0x100000, s1;
	[bflag:$0x2] =	sbarrier.arrive $0xFFFF  }
0x27f: {  	[sflag:s0] =	ssyncadd.tile.s32 @!p0 $0x1;
	_ =	shalt  }
.Lfunc_end2:
_tile_overlayer_lowered:
.L_overlay_start_2:
0x280: {  	(tag) =	ssettag $0x2  }
0x281: {  	s0 =	rddreg [dreg:$0x0];
	s2 =	stileid.u32  }
0x282: {  	s1 =	rddreg [dreg:$0x1];
	p0 =	sne.s32 s2, $0x0  }
0x283: {  	s3 =	rddreg [dreg:$0x2];
	[bflag:$0x3] =	sbarrier.arrive $0xFFFF;
	s2 =	simm.s32 @!p0 $0x1C01  }
0x284: {  	[timem:s3], [sflag:s2] =	dma.local @!p0 [hbm:s0], s1  }
0x285: {  	s0 =	simm.s32 @!p0 $0x1  }
0x286: {  	_ =	swait.ge @!p0 [sflag:s0], s1  }
0x287: {  	s1 =	ssub.s32 @!p0 $0x0, s1;
	[sflag:s0] =	ssyncset.done @!p0 $0x0  }
0x288: {  	[sflag:s0] =	ssyncadd.s32 @!p0 s1  }
0x289: {  	[bflag:$0x3] =	sbarrier.arrive $0xFFFF  }
0x28a: {  	_ =	shalt  }

</sc_bundles>
